<compile_context>
chip_gen: v7x
topology: tpu7x:2x2x1
jax: 0.10.2.dev20260603
libtpu: 0.0.44.dev20260713+nightly
codegen_flags: <defaults>
</compile_context>

<pallas_src>
import functools

import jax
import jax.numpy as jnp
from jax import lax
from jax.experimental import pallas as pl
from jax.experimental.pallas import tpu as pltpu
from jax.experimental.pallas import tpu_sc as plsc

NUM_CORES = 2
NUM_SUBCORES = 16
NW = NUM_CORES * NUM_SUBCORES

CHUNK = 128
MACRO = 13
NBUF = 2


@functools.lru_cache(maxsize=None)
def _make_kernel(B, D):
    b_per_w = B // NW
    n_chunk = b_per_w // CHUNK
    n_macro = n_chunk // MACRO
    n_outer = n_macro // NBUF
    rows_per_macro = MACRO * CHUNK

    mesh = plsc.VectorSubcoreMesh(core_axis_name="c", subcore_axis_name="s")

    @functools.partial(
        pl.kernel,
        out_type=jax.ShapeDtypeStruct((B, D), jnp.float32),
        mesh=mesh,
        scratch_types=[
            pltpu.VMEM((n_chunk, CHUNK), jnp.int32),
            pltpu.VMEM((NBUF, rows_per_macro, D), jnp.float32),
            pltpu.SemaphoreType.DMA((NBUF,)),
            pltpu.SemaphoreType.DMA((NBUF,)),
        ],
        compiler_params=pltpu.CompilerParams(use_tc_tiling_on_sc=False),
    )
    def k(idx_hbm, table_hbm, out_hbm, idx_v, rows_v, gsem, osem):
        wid = lax.axis_index("s") * NUM_CORES + lax.axis_index("c")
        base = wid * b_per_w

        pltpu.sync_copy(idx_hbm.at[wid], idx_v)

        def fire(m, b):
            for j in range(MACRO):
                c = m * MACRO + j
                pltpu.async_copy(
                    table_hbm.at[idx_v.at[c]],
                    rows_v.at[b, pl.ds(j * CHUNK, CHUNK)],
                    gsem.at[b],
                )

        def drain(b):
            pltpu.make_async_copy(
                table_hbm.at[pl.ds(0, rows_per_macro)],
                rows_v.at[b],
                gsem.at[b],
            ).wait()

        def out_slice(m):
            return out_hbm.at[pl.ds(base + m * rows_per_macro, rows_per_macro)]

        for b in range(NBUF):
            fire(b, b)

        @pl.loop(0, n_macro)
        def _(m):
            b = m % NBUF
            drain(b)
            cp = pltpu.async_copy(rows_v.at[b], out_slice(m), osem.at[b])
            cp.wait()

            @pl.when(m + NBUF < n_macro)
            def _fire_next():
                fire(m + NBUF, b)

    return k


def kernel(indices, table):
    batch, fields = indices.shape
    n_rows, feats = table.shape
    B = batch * fields
    idx = indices.reshape(-1).astype(jnp.int32)
    idx3 = idx.reshape(NW, B // NW // CHUNK, CHUNK)
    out = _make_kernel(B, feats)(idx3, table)
    return out.reshape(batch, fields, feats)

# --- scband reference (transcript-rebuilt; emitter-appended) ---
"""Pipeline reference for scband-embed-25890062860712 (READ-ONLY COPY).

The authoritative reference and input builder live on the scoring server;
editing this copy changes nothing except your own understanding.
"""

import jax, jax.numpy as jnp
import numpy as np

NUM_EMBEDDINGS = 1000000
FEATURES = 32
BATCH = 16384
FIELDS = 26


def setup_inputs(seed: int = 0) -> dict:
    key = jax.random.key(seed)
    k_idx, k_tab = jax.random.split(key)
    indices = jax.random.randint(k_idx, (BATCH, FIELDS), 0, NUM_EMBEDDINGS, dtype=jnp.int64 if jax.config.jax_enable_x64 else jnp.int32)
    table = jax.random.normal(k_tab, (NUM_EMBEDDINGS, FEATURES), dtype=jnp.float32)
    return {"indices": indices, "table": table}


def reference(indices, table):
    # Faithful flax.linen.Embed forward: gather rows of the embedding table.
    # Output shape: [BATCH, FIELDS, FEATURES]
    return jnp.take(table, indices, axis=0)

if __name__ == "__main__":
    import jax
    _d = setup_inputs()
    print(jax.jit(kernel)(*tuple(_d.values())))

</pallas_src>

<mosaic_0001>
#map = affine_map<(d0, d1) -> (0, 0, 0)>
#map1 = affine_map<(d0, d1) -> (0, 0)>
module attributes {stable_mosaic.version = 14 : i64} {
  func.func @k(%arg0: i32, %arg1: i32, %arg2: memref<32x104x128xi32, #tpu.memory_space<hbm>>, %arg3: memref<1000000x32xf32, #tpu.memory_space<hbm>>, %arg4: memref<425984x32xf32, #tpu.memory_space<hbm>>, %arg5: memref<104x128xi32, #tpu.memory_space<vmem>>, %arg6: memref<2x1664x32xf32, #tpu.memory_space<vmem>>, %arg7: memref<2x!tpu.dma_semaphore, #tpu.memory_space<semaphore_mem>>, %arg8: memref<2x!tpu.dma_semaphore, #tpu.memory_space<semaphore_mem>>) attributes {dimension_semantics = [#tpu.dimension_semantics<core_parallel>, #tpu.dimension_semantics<subcore_parallel>], iteration_bounds = array<i64: 2, 16>, scalar_prefetch = 0 : i64, scratch_operands = 4 : i64, tpu.core_type = #tpu.core_type<sc_vector_subcore>, window_params = [{transform_indices = #map}, {transform_indices = #map1}, {transform_indices = #map1}]} {
    %mul3A = arith.constant 2 : i32
    %mul3A_0 = arith.muli %arg1, %mul3A : i32
    %add3A = arith.addi %mul3A_0, %arg0 : i32
    %mul3A_1 = arith.constant 13312 : i32
    %mul3A_2 = arith.muli %add3A, %mul3A_1 : i32
    "tpu.region"() ({
      %run_scoped3A = tpu.sem_alloc : memref<!tpu.dma_semaphore, #tpu.memory_space<semaphore_mem>>
      %dma_start3A_396 = arith.constant 0 : i32
      %dma_start3A_397 = arith.constant 0 : i32
      %dma_start3A_398 = tpu.memref_slice %arg2[%add3A, %dma_start3A_396, %dma_start3A_397] : memref<32x104x128xi32, #tpu.memory_space<hbm>> -> memref<1x104x128xi32, #tpu.memory_space<hbm>>
      %dma_start3A_399 = tpu.memref_squeeze %dma_start3A_398 : memref<1x104x128xi32, #tpu.memory_space<hbm>> -> memref<104x128xi32, #tpu.memory_space<hbm>>
      %dma_start3A_400 = arith.constant 0 : i32
      %dma_start3A_401 = arith.constant 0 : i32
      %dma_start3A_402 = tpu.memref_slice %arg2[%add3A, %dma_start3A_400, %dma_start3A_401] : memref<32x104x128xi32, #tpu.memory_space<hbm>> -> memref<1x104x128xi32, #tpu.memory_space<hbm>>
      %dma_start3A_403 = tpu.memref_squeeze %dma_start3A_402 : memref<1x104x128xi32, #tpu.memory_space<hbm>> -> memref<104x128xi32, #tpu.memory_space<hbm>>
      tpu.enqueue_dma source(%dma_start3A_403 : memref<104x128xi32, #tpu.memory_space<hbm>>) target(%arg5 : memref<104x128xi32, #tpu.memory_space<vmem>>) target_semaphore(%run_scoped3A : memref<!tpu.dma_semaphore, #tpu.memory_space<semaphore_mem>>)
      %dma_wait3A = arith.constant 0 : i32
      %dma_wait3A_404 = arith.constant 0 : i32
      %dma_wait3A_405 = tpu.memref_slice %arg2[%add3A, %dma_wait3A, %dma_wait3A_404] : memref<32x104x128xi32, #tpu.memory_space<hbm>> -> memref<1x104x128xi32, #tpu.memory_space<hbm>>
      %dma_wait3A_406 = tpu.memref_squeeze %dma_wait3A_405 : memref<1x104x128xi32, #tpu.memory_space<hbm>> -> memref<104x128xi32, #tpu.memory_space<hbm>>
      %dma_wait3A_407 = arith.constant 0 : i32
      %dma_wait3A_408 = arith.constant 0 : i32
      %dma_wait3A_409 = tpu.memref_slice %arg2[%add3A, %dma_wait3A_407, %dma_wait3A_408] : memref<32x104x128xi32, #tpu.memory_space<hbm>> -> memref<1x104x128xi32, #tpu.memory_space<hbm>>
      %dma_wait3A_410 = tpu.memref_squeeze %dma_wait3A_409 : memref<1x104x128xi32, #tpu.memory_space<hbm>> -> memref<104x128xi32, #tpu.memory_space<hbm>>
      tpu.wait_dma2 semaphore(%run_scoped3A : memref<!tpu.dma_semaphore, #tpu.memory_space<semaphore_mem>>) src(%dma_wait3A_410 : memref<104x128xi32, #tpu.memory_space<hbm>>) dst(%arg5 : memref<104x128xi32, #tpu.memory_space<vmem>>)
      tpu.yield
    }) : () -> ()
    %dma_start3A = arith.constant 0 : i32
    %dma_start3A_3 = arith.constant 0 : i32
    %dma_start3A_4 = arith.constant 0 : i32
    %dma_start3A_5 = arith.constant 0 : i32
    %dma_start3A_6 = arith.constant 0 : i32
    %dma_start3A_7 = tpu.memref_slice %arg6[%dma_start3A_3, %dma_start3A_5, %dma_start3A_6] : memref<2x1664x32xf32, #tpu.memory_space<vmem>> -> memref<1x128x32xf32, #tpu.memory_space<vmem>>
    %dma_start3A_8 = tpu.memref_squeeze %dma_start3A_7 : memref<1x128x32xf32, #tpu.memory_space<vmem>> -> memref<128x32xf32, #tpu.memory_space<vmem>>
    %dma_start3A_9 = arith.constant 0 : i32
    %dma_start3A_10 = tpu.memref_slice %arg5[%dma_start3A, %dma_start3A_9] : memref<104x128xi32, #tpu.memory_space<vmem>> -> memref<1x128xi32, #tpu.memory_space<vmem>>
    %dma_start3A_11 = tpu.memref_squeeze %dma_start3A_10 : memref<1x128xi32, #tpu.memory_space<vmem>> -> memref<128xi32, #tpu.memory_space<vmem>>
    %dma_start3A_12 = arith.constant 0 : i32
    %dma_start3A_13 = arith.constant 0 : i32
    %dma_start3A_14 = tpu.memref_slice %arg3[%dma_start3A_12, %dma_start3A_13] : memref<1000000x32xf32, #tpu.memory_space<hbm>> -> memref<1000000x32xf32, #tpu.memory_space<hbm>>
    %dma_start3A_15 = tpu.memref_slice %arg7[%dma_start3A_4] : memref<2x!tpu.dma_semaphore, #tpu.memory_space<semaphore_mem>> -> memref<1x!tpu.dma_semaphore, #tpu.memory_space<semaphore_mem>>
    %dma_start3A_16 = tpu.memref_squeeze %dma_start3A_15 : memref<1x!tpu.dma_semaphore, #tpu.memory_space<semaphore_mem>> -> memref<!tpu.dma_semaphore, #tpu.memory_space<semaphore_mem>>
    tpu.enqueue_indirect_dma source(%dma_start3A_14 : memref<1000000x32xf32, #tpu.memory_space<hbm>>) target(%dma_start3A_8 : memref<128x32xf32, #tpu.memory_space<vmem>>) offsets(%dma_start3A_11 : memref<128xi32, #tpu.memory_space<vmem>>) semaphore(%dma_start3A_16 : memref<!tpu.dma_semaphore, #tpu.memory_space<semaphore_mem>>)
    %dma_start3A_17 = arith.constant 1 : i32
    %dma_start3A_18 = arith.constant 0 : i32
    %dma_start3A_19 = arith.constant 0 : i32
    %dma_start3A_20 = arith.constant 128 : i32
    %dma_start3A_21 = arith.constant 0 : i32
    %dma_start3A_22 = tpu.memref_slice %arg6[%dma_start3A_18, %dma_start3A_20, %dma_start3A_21] : memref<2x1664x32xf32, #tpu.memory_space<vmem>> -> memref<1x128x32xf32, #tpu.memory_space<vmem>>
    %dma_start3A_23 = tpu.memref_squeeze %dma_start3A_22 : memref<1x128x32xf32, #tpu.memory_space<vmem>> -> memref<128x32xf32, #tpu.memory_space<vmem>>
    %dma_start3A_24 = arith.constant 0 : i32
    %dma_start3A_25 = tpu.memref_slice %arg5[%dma_start3A_17, %dma_start3A_24] : memref<104x128xi32, #tpu.memory_space<vmem>> -> memref<1x128xi32, #tpu.memory_space<vmem>>
    %dma_start3A_26 = tpu.memref_squeeze %dma_start3A_25 : memref<1x128xi32, #tpu.memory_space<vmem>> -> memref<128xi32, #tpu.memory_space<vmem>>
    %dma_start3A_27 = arith.constant 0 : i32
    %dma_start3A_28 = arith.constant 0 : i32
    %dma_start3A_29 = tpu.memref_slice %arg3[%dma_start3A_27, %dma_start3A_28] : memref<1000000x32xf32, #tpu.memory_space<hbm>> -> memref<1000000x32xf32, #tpu.memory_space<hbm>>
    %dma_start3A_30 = tpu.memref_slice %arg7[%dma_start3A_19] : memref<2x!tpu.dma_semaphore, #tpu.memory_space<semaphore_mem>> -> memref<1x!tpu.dma_semaphore, #tpu.memory_space<semaphore_mem>>
    %dma_start3A_31 = tpu.memref_squeeze %dma_start3A_30 : memref<1x!tpu.dma_semaphore, #tpu.memory_space<semaphore_mem>> -> memref<!tpu.dma_semaphore, #tpu.memory_space<semaphore_mem>>
    tpu.enqueue_indirect_dma source(%dma_start3A_29 : memref<1000000x32xf32, #tpu.memory_space<hbm>>) target(%dma_start3A_23 : memref<128x32xf32, #tpu.memory_space<vmem>>) offsets(%dma_start3A_26 : memref<128xi32, #tpu.memory_space<vmem>>) semaphore(%dma_start3A_31 : memref<!tpu.dma_semaphore, #tpu.memory_space<semaphore_mem>>)
    %dma_start3A_32 = arith.constant 2 : i32
    %dma_start3A_33 = arith.constant 0 : i32
    %dma_start3A_34 = arith.constant 0 : i32
    %dma_start3A_35 = arith.constant 256 : i32
    %dma_start3A_36 = arith.constant 0 : i32
    %dma_start3A_37 = tpu.memref_slice %arg6[%dma_start3A_33, %dma_start3A_35, %dma_start3A_36] : memref<2x1664x32xf32, #tpu.memory_space<vmem>> -> memref<1x128x32xf32, #tpu.memory_space<vmem>>
    %dma_start3A_38 = tpu.memref_squeeze %dma_start3A_37 : memref<1x128x32xf32, #tpu.memory_space<vmem>> -> memref<128x32xf32, #tpu.memory_space<vmem>>
    %dma_start3A_39 = arith.constant 0 : i32
    %dma_start3A_40 = tpu.memref_slice %arg5[%dma_start3A_32, %dma_start3A_39] : memref<104x128xi32, #tpu.memory_space<vmem>> -> memref<1x128xi32, #tpu.memory_space<vmem>>
    %dma_start3A_41 = tpu.memref_squeeze %dma_start3A_40 : memref<1x128xi32, #tpu.memory_space<vmem>> -> memref<128xi32, #tpu.memory_space<vmem>>
    %dma_start3A_42 = arith.constant 0 : i32
    %dma_start3A_43 = arith.constant 0 : i32
    %dma_start3A_44 = tpu.memref_slice %arg3[%dma_start3A_42, %dma_start3A_43] : memref<1000000x32xf32, #tpu.memory_space<hbm>> -> memref<1000000x32xf32, #tpu.memory_space<hbm>>
    %dma_start3A_45 = tpu.memref_slice %arg7[%dma_start3A_34] : memref<2x!tpu.dma_semaphore, #tpu.memory_space<semaphore_mem>> -> memref<1x!tpu.dma_semaphore, #tpu.memory_space<semaphore_mem>>
    %dma_start3A_46 = tpu.memref_squeeze %dma_start3A_45 : memref<1x!tpu.dma_semaphore, #tpu.memory_space<semaphore_mem>> -> memref<!tpu.dma_semaphore, #tpu.memory_space<semaphore_mem>>
    tpu.enqueue_indirect_dma source(%dma_start3A_44 : memref<1000000x32xf32, #tpu.memory_space<hbm>>) target(%dma_start3A_38 : memref<128x32xf32, #tpu.memory_space<vmem>>) offsets(%dma_start3A_41 : memref<128xi32, #tpu.memory_space<vmem>>) semaphore(%dma_start3A_46 : memref<!tpu.dma_semaphore, #tpu.memory_space<semaphore_mem>>)
    %dma_start3A_47 = arith.constant 3 : i32
    %dma_start3A_48 = arith.constant 0 : i32
    %dma_start3A_49 = arith.constant 0 : i32
    %dma_start3A_50 = arith.constant 384 : i32
    %dma_start3A_51 = arith.constant 0 : i32
    %dma_start3A_52 = tpu.memref_slice %arg6[%dma_start3A_48, %dma_start3A_50, %dma_start3A_51] : memref<2x1664x32xf32, #tpu.memory_space<vmem>> -> memref<1x128x32xf32, #tpu.memory_space<vmem>>
    %dma_start3A_53 = tpu.memref_squeeze %dma_start3A_52 : memref<1x128x32xf32, #tpu.memory_space<vmem>> -> memref<128x32xf32, #tpu.memory_space<vmem>>
    %dma_start3A_54 = arith.constant 0 : i32
    %dma_start3A_55 = tpu.memref_slice %arg5[%dma_start3A_47, %dma_start3A_54] : memref<104x128xi32, #tpu.memory_space<vmem>> -> memref<1x128xi32, #tpu.memory_space<vmem>>
    %dma_start3A_56 = tpu.memref_squeeze %dma_start3A_55 : memref<1x128xi32, #tpu.memory_space<vmem>> -> memref<128xi32, #tpu.memory_space<vmem>>
    %dma_start3A_57 = arith.constant 0 : i32
    %dma_start3A_58 = arith.constant 0 : i32
    %dma_start3A_59 = tpu.memref_slice %arg3[%dma_start3A_57, %dma_start3A_58] : memref<1000000x32xf32, #tpu.memory_space<hbm>> -> memref<1000000x32xf32, #tpu.memory_space<hbm>>
    %dma_start3A_60 = tpu.memref_slice %arg7[%dma_start3A_49] : memref<2x!tpu.dma_semaphore, #tpu.memory_space<semaphore_mem>> -> memref<1x!tpu.dma_semaphore, #tpu.memory_space<semaphore_mem>>
    %dma_start3A_61 = tpu.memref_squeeze %dma_start3A_60 : memref<1x!tpu.dma_semaphore, #tpu.memory_space<semaphore_mem>> -> memref<!tpu.dma_semaphore, #tpu.memory_space<semaphore_mem>>
    tpu.enqueue_indirect_dma source(%dma_start3A_59 : memref<1000000x32xf32, #tpu.memory_space<hbm>>) target(%dma_start3A_53 : memref<128x32xf32, #tpu.memory_space<vmem>>) offsets(%dma_start3A_56 : memref<128xi32, #tpu.memory_space<vmem>>) semaphore(%dma_start3A_61 : memref<!tpu.dma_semaphore, #tpu.memory_space<semaphore_mem>>)
    %dma_start3A_62 = arith.constant 4 : i32
    %dma_start3A_63 = arith.constant 0 : i32
    %dma_start3A_64 = arith.constant 0 : i32
    %dma_start3A_65 = arith.constant 512 : i32
    %dma_start3A_66 = arith.constant 0 : i32
    %dma_start3A_67 = tpu.memref_slice %arg6[%dma_start3A_63, %dma_start3A_65, %dma_start3A_66] : memref<2x1664x32xf32, #tpu.memory_space<vmem>> -> memref<1x128x32xf32, #tpu.memory_space<vmem>>
    %dma_start3A_68 = tpu.memref_squeeze %dma_start3A_67 : memref<1x128x32xf32, #tpu.memory_space<vmem>> -> memref<128x32xf32, #tpu.memory_space<vmem>>
    %dma_start3A_69 = arith.constant 0 : i32
    %dma_start3A_70 = tpu.memref_slice %arg5[%dma_start3A_62, %dma_start3A_69] : memref<104x128xi32, #tpu.memory_space<vmem>> -> memref<1x128xi32, #tpu.memory_space<vmem>>
    %dma_start3A_71 = tpu.memref_squeeze %dma_start3A_70 : memref<1x128xi32, #tpu.memory_space<vmem>> -> memref<128xi32, #tpu.memory_space<vmem>>
    %dma_start3A_72 = arith.constant 0 : i32
    %dma_start3A_73 = arith.constant 0 : i32
    %dma_start3A_74 = tpu.memref_slice %arg3[%dma_start3A_72, %dma_start3A_73] : memref<1000000x32xf32, #tpu.memory_space<hbm>> -> memref<1000000x32xf32, #tpu.memory_space<hbm>>
    %dma_start3A_75 = tpu.memref_slice %arg7[%dma_start3A_64] : memref<2x!tpu.dma_semaphore, #tpu.memory_space<semaphore_mem>> -> memref<1x!tpu.dma_semaphore, #tpu.memory_space<semaphore_mem>>
    %dma_start3A_76 = tpu.memref_squeeze %dma_start3A_75 : memref<1x!tpu.dma_semaphore, #tpu.memory_space<semaphore_mem>> -> memref<!tpu.dma_semaphore, #tpu.memory_space<semaphore_mem>>
    tpu.enqueue_indirect_dma source(%dma_start3A_74 : memref<1000000x32xf32, #tpu.memory_space<hbm>>) target(%dma_start3A_68 : memref<128x32xf32, #tpu.memory_space<vmem>>) offsets(%dma_start3A_71 : memref<128xi32, #tpu.memory_space<vmem>>) semaphore(%dma_start3A_76 : memref<!tpu.dma_semaphore, #tpu.memory_space<semaphore_mem>>)
    %dma_start3A_77 = arith.constant 5 : i32
    %dma_start3A_78 = arith.constant 0 : i32
    %dma_start3A_79 = arith.constant 0 : i32
    %dma_start3A_80 = arith.constant 640 : i32
    %dma_start3A_81 = arith.constant 0 : i32
    %dma_start3A_82 = tpu.memref_slice %arg6[%dma_start3A_78, %dma_start3A_80, %dma_start3A_81] : memref<2x1664x32xf32, #tpu.memory_space<vmem>> -> memref<1x128x32xf32, #tpu.memory_space<vmem>>
    %dma_start3A_83 = tpu.memref_squeeze %dma_start3A_82 : memref<1x128x32xf32, #tpu.memory_space<vmem>> -> memref<128x32xf32, #tpu.memory_space<vmem>>
    %dma_start3A_84 = arith.constant 0 : i32
    %dma_start3A_85 = tpu.memref_slice %arg5[%dma_start3A_77, %dma_start3A_84] : memref<104x128xi32, #tpu.memory_space<vmem>> -> memref<1x128xi32, #tpu.memory_space<vmem>>
    %dma_start3A_86 = tpu.memref_squeeze %dma_start3A_85 : memref<1x128xi32, #tpu.memory_space<vmem>> -> memref<128xi32, #tpu.memory_space<vmem>>
    %dma_start3A_87 = arith.constant 0 : i32
    %dma_start3A_88 = arith.constant 0 : i32
    %dma_start3A_89 = tpu.memref_slice %arg3[%dma_start3A_87, %dma_start3A_88] : memref<1000000x32xf32, #tpu.memory_space<hbm>> -> memref<1000000x32xf32, #tpu.memory_space<hbm>>
    %dma_start3A_90 = tpu.memref_slice %arg7[%dma_start3A_79] : memref<2x!tpu.dma_semaphore, #tpu.memory_space<semaphore_mem>> -> memref<1x!tpu.dma_semaphore, #tpu.memory_space<semaphore_mem>>
    %dma_start3A_91 = tpu.memref_squeeze %dma_start3A_90 : memref<1x!tpu.dma_semaphore, #tpu.memory_space<semaphore_mem>> -> memref<!tpu.dma_semaphore, #tpu.memory_space<semaphore_mem>>
    tpu.enqueue_indirect_dma source(%dma_start3A_89 : memref<1000000x32xf32, #tpu.memory_space<hbm>>) target(%dma_start3A_83 : memref<128x32xf32, #tpu.memory_space<vmem>>) offsets(%dma_start3A_86 : memref<128xi32, #tpu.memory_space<vmem>>) semaphore(%dma_start3A_91 : memref<!tpu.dma_semaphore, #tpu.memory_space<semaphore_mem>>)
    %dma_start3A_92 = arith.constant 6 : i32
    %dma_start3A_93 = arith.constant 0 : i32
    %dma_start3A_94 = arith.constant 0 : i32
    %dma_start3A_95 = arith.constant 768 : i32
    %dma_start3A_96 = arith.constant 0 : i32
    %dma_start3A_97 = tpu.memref_slice %arg6[%dma_start3A_93, %dma_start3A_95, %dma_start3A_96] : memref<2x1664x32xf32, #tpu.memory_space<vmem>> -> memref<1x128x32xf32, #tpu.memory_space<vmem>>
    %dma_start3A_98 = tpu.memref_squeeze %dma_start3A_97 : memref<1x128x32xf32, #tpu.memory_space<vmem>> -> memref<128x32xf32, #tpu.memory_space<vmem>>
    %dma_start3A_99 = arith.constant 0 : i32
    %dma_start3A_100 = tpu.memref_slice %arg5[%dma_start3A_92, %dma_start3A_99] : memref<104x128xi32, #tpu.memory_space<vmem>> -> memref<1x128xi32, #tpu.memory_space<vmem>>
    %dma_start3A_101 = tpu.memref_squeeze %dma_start3A_100 : memref<1x128xi32, #tpu.memory_space<vmem>> -> memref<128xi32, #tpu.memory_space<vmem>>
    %dma_start3A_102 = arith.constant 0 : i32
    %dma_start3A_103 = arith.constant 0 : i32
    %dma_start3A_104 = tpu.memref_slice %arg3[%dma_start3A_102, %dma_start3A_103] : memref<1000000x32xf32, #tpu.memory_space<hbm>> -> memref<1000000x32xf32, #tpu.memory_space<hbm>>
    %dma_start3A_105 = tpu.memref_slice %arg7[%dma_start3A_94] : memref<2x!tpu.dma_semaphore, #tpu.memory_space<semaphore_mem>> -> memref<1x!tpu.dma_semaphore, #tpu.memory_space<semaphore_mem>>
    %dma_start3A_106 = tpu.memref_squeeze %dma_start3A_105 : memref<1x!tpu.dma_semaphore, #tpu.memory_space<semaphore_mem>> -> memref<!tpu.dma_semaphore, #tpu.memory_space<semaphore_mem>>
    tpu.enqueue_indirect_dma source(%dma_start3A_104 : memref<1000000x32xf32, #tpu.memory_space<hbm>>) target(%dma_start3A_98 : memref<128x32xf32, #tpu.memory_space<vmem>>) offsets(%dma_start3A_101 : memref<128xi32, #tpu.memory_space<vmem>>) semaphore(%dma_start3A_106 : memref<!tpu.dma_semaphore, #tpu.memory_space<semaphore_mem>>)
    %dma_start3A_107 = arith.constant 7 : i32
    %dma_start3A_108 = arith.constant 0 : i32
    %dma_start3A_109 = arith.constant 0 : i32
    %dma_start3A_110 = arith.constant 896 : i32
    %dma_start3A_111 = arith.constant 0 : i32
    %dma_start3A_112 = tpu.memref_slice %arg6[%dma_start3A_108, %dma_start3A_110, %dma_start3A_111] : memref<2x1664x32xf32, #tpu.memory_space<vmem>> -> memref<1x128x32xf32, #tpu.memory_space<vmem>>
    %dma_start3A_113 = tpu.memref_squeeze %dma_start3A_112 : memref<1x128x32xf32, #tpu.memory_space<vmem>> -> memref<128x32xf32, #tpu.memory_space<vmem>>
    %dma_start3A_114 = arith.constant 0 : i32
    %dma_start3A_115 = tpu.memref_slice %arg5[%dma_start3A_107, %dma_start3A_114] : memref<104x128xi32, #tpu.memory_space<vmem>> -> memref<1x128xi32, #tpu.memory_space<vmem>>
    %dma_start3A_116 = tpu.memref_squeeze %dma_start3A_115 : memref<1x128xi32, #tpu.memory_space<vmem>> -> memref<128xi32, #tpu.memory_space<vmem>>
    %dma_start3A_117 = arith.constant 0 : i32
    %dma_start3A_118 = arith.constant 0 : i32
    %dma_start3A_119 = tpu.memref_slice %arg3[%dma_start3A_117, %dma_start3A_118] : memref<1000000x32xf32, #tpu.memory_space<hbm>> -> memref<1000000x32xf32, #tpu.memory_space<hbm>>
    %dma_start3A_120 = tpu.memref_slice %arg7[%dma_start3A_109] : memref<2x!tpu.dma_semaphore, #tpu.memory_space<semaphore_mem>> -> memref<1x!tpu.dma_semaphore, #tpu.memory_space<semaphore_mem>>
    %dma_start3A_121 = tpu.memref_squeeze %dma_start3A_120 : memref<1x!tpu.dma_semaphore, #tpu.memory_space<semaphore_mem>> -> memref<!tpu.dma_semaphore, #tpu.memory_space<semaphore_mem>>
    tpu.enqueue_indirect_dma source(%dma_start3A_119 : memref<1000000x32xf32, #tpu.memory_space<hbm>>) target(%dma_start3A_113 : memref<128x32xf32, #tpu.memory_space<vmem>>) offsets(%dma_start3A_116 : memref<128xi32, #tpu.memory_space<vmem>>) semaphore(%dma_start3A_121 : memref<!tpu.dma_semaphore, #tpu.memory_space<semaphore_mem>>)
    %dma_start3A_122 = arith.constant 8 : i32
    %dma_start3A_123 = arith.constant 0 : i32
    %dma_start3A_124 = arith.constant 0 : i32
    %dma_start3A_125 = arith.constant 1024 : i32
    %dma_start3A_126 = arith.constant 0 : i32
    %dma_start3A_127 = tpu.memref_slice %arg6[%dma_start3A_123, %dma_start3A_125, %dma_start3A_126] : memref<2x1664x32xf32, #tpu.memory_space<vmem>> -> memref<1x128x32xf32, #tpu.memory_space<vmem>>
    %dma_start3A_128 = tpu.memref_squeeze %dma_start3A_127 : memref<1x128x32xf32, #tpu.memory_space<vmem>> -> memref<128x32xf32, #tpu.memory_space<vmem>>
    %dma_start3A_129 = arith.constant 0 : i32
    %dma_start3A_130 = tpu.memref_slice %arg5[%dma_start3A_122, %dma_start3A_129] : memref<104x128xi32, #tpu.memory_space<vmem>> -> memref<1x128xi32, #tpu.memory_space<vmem>>
    %dma_start3A_131 = tpu.memref_squeeze %dma_start3A_130 : memref<1x128xi32, #tpu.memory_space<vmem>> -> memref<128xi32, #tpu.memory_space<vmem>>
    %dma_start3A_132 = arith.constant 0 : i32
    %dma_start3A_133 = arith.constant 0 : i32
    %dma_start3A_134 = tpu.memref_slice %arg3[%dma_start3A_132, %dma_start3A_133] : memref<1000000x32xf32, #tpu.memory_space<hbm>> -> memref<1000000x32xf32, #tpu.memory_space<hbm>>
    %dma_start3A_135 = tpu.memref_slice %arg7[%dma_start3A_124] : memref<2x!tpu.dma_semaphore, #tpu.memory_space<semaphore_mem>> -> memref<1x!tpu.dma_semaphore, #tpu.memory_space<semaphore_mem>>
    %dma_start3A_136 = tpu.memref_squeeze %dma_start3A_135 : memref<1x!tpu.dma_semaphore, #tpu.memory_space<semaphore_mem>> -> memref<!tpu.dma_semaphore, #tpu.memory_space<semaphore_mem>>
    tpu.enqueue_indirect_dma source(%dma_start3A_134 : memref<1000000x32xf32, #tpu.memory_space<hbm>>) target(%dma_start3A_128 : memref<128x32xf32, #tpu.memory_space<vmem>>) offsets(%dma_start3A_131 : memref<128xi32, #tpu.memory_space<vmem>>) semaphore(%dma_start3A_136 : memref<!tpu.dma_semaphore, #tpu.memory_space<semaphore_mem>>)
    %dma_start3A_137 = arith.constant 9 : i32
    %dma_start3A_138 = arith.constant 0 : i32
    %dma_start3A_139 = arith.constant 0 : i32
    %dma_start3A_140 = arith.constant 1152 : i32
    %dma_start3A_141 = arith.constant 0 : i32
    %dma_start3A_142 = tpu.memref_slice %arg6[%dma_start3A_138, %dma_start3A_140, %dma_start3A_141] : memref<2x1664x32xf32, #tpu.memory_space<vmem>> -> memref<1x128x32xf32, #tpu.memory_space<vmem>>
    %dma_start3A_143 = tpu.memref_squeeze %dma_start3A_142 : memref<1x128x32xf32, #tpu.memory_space<vmem>> -> memref<128x32xf32, #tpu.memory_space<vmem>>
    %dma_start3A_144 = arith.constant 0 : i32
    %dma_start3A_145 = tpu.memref_slice %arg5[%dma_start3A_137, %dma_start3A_144] : memref<104x128xi32, #tpu.memory_space<vmem>> -> memref<1x128xi32, #tpu.memory_space<vmem>>
    %dma_start3A_146 = tpu.memref_squeeze %dma_start3A_145 : memref<1x128xi32, #tpu.memory_space<vmem>> -> memref<128xi32, #tpu.memory_space<vmem>>
    %dma_start3A_147 = arith.constant 0 : i32
    %dma_start3A_148 = arith.constant 0 : i32
    %dma_start3A_149 = tpu.memref_slice %arg3[%dma_start3A_147, %dma_start3A_148] : memref<1000000x32xf32, #tpu.memory_space<hbm>> -> memref<1000000x32xf32, #tpu.memory_space<hbm>>
    %dma_start3A_150 = tpu.memref_slice %arg7[%dma_start3A_139] : memref<2x!tpu.dma_semaphore, #tpu.memory_space<semaphore_mem>> -> memref<1x!tpu.dma_semaphore, #tpu.memory_space<semaphore_mem>>
    %dma_start3A_151 = tpu.memref_squeeze %dma_start3A_150 : memref<1x!tpu.dma_semaphore, #tpu.memory_space<semaphore_mem>> -> memref<!tpu.dma_semaphore, #tpu.memory_space<semaphore_mem>>
    tpu.enqueue_indirect_dma source(%dma_start3A_149 : memref<1000000x32xf32, #tpu.memory_space<hbm>>) target(%dma_start3A_143 : memref<128x32xf32, #tpu.memory_space<vmem>>) offsets(%dma_start3A_146 : memref<128xi32, #tpu.memory_space<vmem>>) semaphore(%dma_start3A_151 : memref<!tpu.dma_semaphore, #tpu.memory_space<semaphore_mem>>)
    %dma_start3A_152 = arith.constant 10 : i32
    %dma_start3A_153 = arith.constant 0 : i32
    %dma_start3A_154 = arith.constant 0 : i32
    %dma_start3A_155 = arith.constant 1280 : i32
    %dma_start3A_156 = arith.constant 0 : i32
    %dma_start3A_157 = tpu.memref_slice %arg6[%dma_start3A_153, %dma_start3A_155, %dma_start3A_156] : memref<2x1664x32xf32, #tpu.memory_space<vmem>> -> memref<1x128x32xf32, #tpu.memory_space<vmem>>
    %dma_start3A_158 = tpu.memref_squeeze %dma_start3A_157 : memref<1x128x32xf32, #tpu.memory_space<vmem>> -> memref<128x32xf32, #tpu.memory_space<vmem>>
    %dma_start3A_159 = arith.constant 0 : i32
    %dma_start3A_160 = tpu.memref_slice %arg5[%dma_start3A_152, %dma_start3A_159] : memref<104x128xi32, #tpu.memory_space<vmem>> -> memref<1x128xi32, #tpu.memory_space<vmem>>
    %dma_start3A_161 = tpu.memref_squeeze %dma_start3A_160 : memref<1x128xi32, #tpu.memory_space<vmem>> -> memref<128xi32, #tpu.memory_space<vmem>>
    %dma_start3A_162 = arith.constant 0 : i32
    %dma_start3A_163 = arith.constant 0 : i32
    %dma_start3A_164 = tpu.memref_slice %arg3[%dma_start3A_162, %dma_start3A_163] : memref<1000000x32xf32, #tpu.memory_space<hbm>> -> memref<1000000x32xf32, #tpu.memory_space<hbm>>
    %dma_start3A_165 = tpu.memref_slice %arg7[%dma_start3A_154] : memref<2x!tpu.dma_semaphore, #tpu.memory_space<semaphore_mem>> -> memref<1x!tpu.dma_semaphore, #tpu.memory_space<semaphore_mem>>
    %dma_start3A_166 = tpu.memref_squeeze %dma_start3A_165 : memref<1x!tpu.dma_semaphore, #tpu.memory_space<semaphore_mem>> -> memref<!tpu.dma_semaphore, #tpu.memory_space<semaphore_mem>>
    tpu.enqueue_indirect_dma source(%dma_start3A_164 : memref<1000000x32xf32, #tpu.memory_space<hbm>>) target(%dma_start3A_158 : memref<128x32xf32, #tpu.memory_space<vmem>>) offsets(%dma_start3A_161 : memref<128xi32, #tpu.memory_space<vmem>>) semaphore(%dma_start3A_166 : memref<!tpu.dma_semaphore, #tpu.memory_space<semaphore_mem>>)
    %dma_start3A_167 = arith.constant 11 : i32
    %dma_start3A_168 = arith.constant 0 : i32
    %dma_start3A_169 = arith.constant 0 : i32
    %dma_start3A_170 = arith.constant 1408 : i32
    %dma_start3A_171 = arith.constant 0 : i32
    %dma_start3A_172 = tpu.memref_slice %arg6[%dma_start3A_168, %dma_start3A_170, %dma_start3A_171] : memref<2x1664x32xf32, #tpu.memory_space<vmem>> -> memref<1x128x32xf32, #tpu.memory_space<vmem>>
    %dma_start3A_173 = tpu.memref_squeeze %dma_start3A_172 : memref<1x128x32xf32, #tpu.memory_space<vmem>> -> memref<128x32xf32, #tpu.memory_space<vmem>>
    %dma_start3A_174 = arith.constant 0 : i32
    %dma_start3A_175 = tpu.memref_slice %arg5[%dma_start3A_167, %dma_start3A_174] : memref<104x128xi32, #tpu.memory_space<vmem>> -> memref<1x128xi32, #tpu.memory_space<vmem>>
    %dma_start3A_176 = tpu.memref_squeeze %dma_start3A_175 : memref<1x128xi32, #tpu.memory_space<vmem>> -> memref<128xi32, #tpu.memory_space<vmem>>
    %dma_start3A_177 = arith.constant 0 : i32
    %dma_start3A_178 = arith.constant 0 : i32
    %dma_start3A_179 = tpu.memref_slice %arg3[%dma_start3A_177, %dma_start3A_178] : memref<1000000x32xf32, #tpu.memory_space<hbm>> -> memref<1000000x32xf32, #tpu.memory_space<hbm>>
    %dma_start3A_180 = tpu.memref_slice %arg7[%dma_start3A_169] : memref<2x!tpu.dma_semaphore, #tpu.memory_space<semaphore_mem>> -> memref<1x!tpu.dma_semaphore, #tpu.memory_space<semaphore_mem>>
    %dma_start3A_181 = tpu.memref_squeeze %dma_start3A_180 : memref<1x!tpu.dma_semaphore, #tpu.memory_space<semaphore_mem>> -> memref<!tpu.dma_semaphore, #tpu.memory_space<semaphore_mem>>
    tpu.enqueue_indirect_dma source(%dma_start3A_179 : memref<1000000x32xf32, #tpu.memory_space<hbm>>) target(%dma_start3A_173 : memref<128x32xf32, #tpu.memory_space<vmem>>) offsets(%dma_start3A_176 : memref<128xi32, #tpu.memory_space<vmem>>) semaphore(%dma_start3A_181 : memref<!tpu.dma_semaphore, #tpu.memory_space<semaphore_mem>>)
    %dma_start3A_182 = arith.constant 12 : i32
    %dma_start3A_183 = arith.constant 0 : i32
    %dma_start3A_184 = arith.constant 0 : i32
    %dma_start3A_185 = arith.constant 1536 : i32
    %dma_start3A_186 = arith.constant 0 : i32
    %dma_start3A_187 = tpu.memref_slice %arg6[%dma_start3A_183, %dma_start3A_185, %dma_start3A_186] : memref<2x1664x32xf32, #tpu.memory_space<vmem>> -> memref<1x128x32xf32, #tpu.memory_space<vmem>>
    %dma_start3A_188 = tpu.memref_squeeze %dma_start3A_187 : memref<1x128x32xf32, #tpu.memory_space<vmem>> -> memref<128x32xf32, #tpu.memory_space<vmem>>
    %dma_start3A_189 = arith.constant 0 : i32
    %dma_start3A_190 = tpu.memref_slice %arg5[%dma_start3A_182, %dma_start3A_189] : memref<104x128xi32, #tpu.memory_space<vmem>> -> memref<1x128xi32, #tpu.memory_space<vmem>>
    %dma_start3A_191 = tpu.memref_squeeze %dma_start3A_190 : memref<1x128xi32, #tpu.memory_space<vmem>> -> memref<128xi32, #tpu.memory_space<vmem>>
    %dma_start3A_192 = arith.constant 0 : i32
    %dma_start3A_193 = arith.constant 0 : i32
    %dma_start3A_194 = tpu.memref_slice %arg3[%dma_start3A_192, %dma_start3A_193] : memref<1000000x32xf32, #tpu.memory_space<hbm>> -> memref<1000000x32xf32, #tpu.memory_space<hbm>>
    %dma_start3A_195 = tpu.memref_slice %arg7[%dma_start3A_184] : memref<2x!tpu.dma_semaphore, #tpu.memory_space<semaphore_mem>> -> memref<1x!tpu.dma_semaphore, #tpu.memory_space<semaphore_mem>>
    %dma_start3A_196 = tpu.memref_squeeze %dma_start3A_195 : memref<1x!tpu.dma_semaphore, #tpu.memory_space<semaphore_mem>> -> memref<!tpu.dma_semaphore, #tpu.memory_space<semaphore_mem>>
    tpu.enqueue_indirect_dma source(%dma_start3A_194 : memref<1000000x32xf32, #tpu.memory_space<hbm>>) target(%dma_start3A_188 : memref<128x32xf32, #tpu.memory_space<vmem>>) offsets(%dma_start3A_191 : memref<128xi32, #tpu.memory_space<vmem>>) semaphore(%dma_start3A_196 : memref<!tpu.dma_semaphore, #tpu.memory_space<semaphore_mem>>)
    %dma_start3A_197 = arith.constant 13 : i32
    %dma_start3A_198 = arith.constant 1 : i32
    %dma_start3A_199 = arith.constant 1 : i32
    %dma_start3A_200 = arith.constant 0 : i32
    %dma_start3A_201 = arith.constant 0 : i32
    %dma_start3A_202 = tpu.memref_slice %arg6[%dma_start3A_198, %dma_start3A_200, %dma_start3A_201] : memref<2x1664x32xf32, #tpu.memory_space<vmem>> -> memref<1x128x32xf32, #tpu.memory_space<vmem>>
    %dma_start3A_203 = tpu.memref_squeeze %dma_start3A_202 : memref<1x128x32xf32, #tpu.memory_space<vmem>> -> memref<128x32xf32, #tpu.memory_space<vmem>>
    %dma_start3A_204 = arith.constant 0 : i32
    %dma_start3A_205 = tpu.memref_slice %arg5[%dma_start3A_197, %dma_start3A_204] : memref<104x128xi32, #tpu.memory_space<vmem>> -> memref<1x128xi32, #tpu.memory_space<vmem>>
    %dma_start3A_206 = tpu.memref_squeeze %dma_start3A_205 : memref<1x128xi32, #tpu.memory_space<vmem>> -> memref<128xi32, #tpu.memory_space<vmem>>
    %dma_start3A_207 = arith.constant 0 : i32
    %dma_start3A_208 = arith.constant 0 : i32
    %dma_start3A_209 = tpu.memref_slice %arg3[%dma_start3A_207, %dma_start3A_208] : memref<1000000x32xf32, #tpu.memory_space<hbm>> -> memref<1000000x32xf32, #tpu.memory_space<hbm>>
    %dma_start3A_210 = tpu.memref_slice %arg7[%dma_start3A_199] : memref<2x!tpu.dma_semaphore, #tpu.memory_space<semaphore_mem>> -> memref<1x!tpu.dma_semaphore, #tpu.memory_space<semaphore_mem>>
    %dma_start3A_211 = tpu.memref_squeeze %dma_start3A_210 : memref<1x!tpu.dma_semaphore, #tpu.memory_space<semaphore_mem>> -> memref<!tpu.dma_semaphore, #tpu.memory_space<semaphore_mem>>
    tpu.enqueue_indirect_dma source(%dma_start3A_209 : memref<1000000x32xf32, #tpu.memory_space<hbm>>) target(%dma_start3A_203 : memref<128x32xf32, #tpu.memory_space<vmem>>) offsets(%dma_start3A_206 : memref<128xi32, #tpu.memory_space<vmem>>) semaphore(%dma_start3A_211 : memref<!tpu.dma_semaphore, #tpu.memory_space<semaphore_mem>>)
    %dma_start3A_212 = arith.constant 14 : i32
    %dma_start3A_213 = arith.constant 1 : i32
    %dma_start3A_214 = arith.constant 1 : i32
    %dma_start3A_215 = arith.constant 128 : i32
    %dma_start3A_216 = arith.constant 0 : i32
    %dma_start3A_217 = tpu.memref_slice %arg6[%dma_start3A_213, %dma_start3A_215, %dma_start3A_216] : memref<2x1664x32xf32, #tpu.memory_space<vmem>> -> memref<1x128x32xf32, #tpu.memory_space<vmem>>
    %dma_start3A_218 = tpu.memref_squeeze %dma_start3A_217 : memref<1x128x32xf32, #tpu.memory_space<vmem>> -> memref<128x32xf32, #tpu.memory_space<vmem>>
    %dma_start3A_219 = arith.constant 0 : i32
    %dma_start3A_220 = tpu.memref_slice %arg5[%dma_start3A_212, %dma_start3A_219] : memref<104x128xi32, #tpu.memory_space<vmem>> -> memref<1x128xi32, #tpu.memory_space<vmem>>
    %dma_start3A_221 = tpu.memref_squeeze %dma_start3A_220 : memref<1x128xi32, #tpu.memory_space<vmem>> -> memref<128xi32, #tpu.memory_space<vmem>>
    %dma_start3A_222 = arith.constant 0 : i32
    %dma_start3A_223 = arith.constant 0 : i32
    %dma_start3A_224 = tpu.memref_slice %arg3[%dma_start3A_222, %dma_start3A_223] : memref<1000000x32xf32, #tpu.memory_space<hbm>> -> memref<1000000x32xf32, #tpu.memory_space<hbm>>
    %dma_start3A_225 = tpu.memref_slice %arg7[%dma_start3A_214] : memref<2x!tpu.dma_semaphore, #tpu.memory_space<semaphore_mem>> -> memref<1x!tpu.dma_semaphore, #tpu.memory_space<semaphore_mem>>
    %dma_start3A_226 = tpu.memref_squeeze %dma_start3A_225 : memref<1x!tpu.dma_semaphore, #tpu.memory_space<semaphore_mem>> -> memref<!tpu.dma_semaphore, #tpu.memory_space<semaphore_mem>>
    tpu.enqueue_indirect_dma source(%dma_start3A_224 : memref<1000000x32xf32, #tpu.memory_space<hbm>>) target(%dma_start3A_218 : memref<128x32xf32, #tpu.memory_space<vmem>>) offsets(%dma_start3A_221 : memref<128xi32, #tpu.memory_space<vmem>>) semaphore(%dma_start3A_226 : memref<!tpu.dma_semaphore, #tpu.memory_space<semaphore_mem>>)
    %dma_start3A_227 = arith.constant 15 : i32
    %dma_start3A_228 = arith.constant 1 : i32
    %dma_start3A_229 = arith.constant 1 : i32
    %dma_start3A_230 = arith.constant 256 : i32
    %dma_start3A_231 = arith.constant 0 : i32
    %dma_start3A_232 = tpu.memref_slice %arg6[%dma_start3A_228, %dma_start3A_230, %dma_start3A_231] : memref<2x1664x32xf32, #tpu.memory_space<vmem>> -> memref<1x128x32xf32, #tpu.memory_space<vmem>>
    %dma_start3A_233 = tpu.memref_squeeze %dma_start3A_232 : memref<1x128x32xf32, #tpu.memory_space<vmem>> -> memref<128x32xf32, #tpu.memory_space<vmem>>
    %dma_start3A_234 = arith.constant 0 : i32
    %dma_start3A_235 = tpu.memref_slice %arg5[%dma_start3A_227, %dma_start3A_234] : memref<104x128xi32, #tpu.memory_space<vmem>> -> memref<1x128xi32, #tpu.memory_space<vmem>>
    %dma_start3A_236 = tpu.memref_squeeze %dma_start3A_235 : memref<1x128xi32, #tpu.memory_space<vmem>> -> memref<128xi32, #tpu.memory_space<vmem>>
    %dma_start3A_237 = arith.constant 0 : i32
    %dma_start3A_238 = arith.constant 0 : i32
    %dma_start3A_239 = tpu.memref_slice %arg3[%dma_start3A_237, %dma_start3A_238] : memref<1000000x32xf32, #tpu.memory_space<hbm>> -> memref<1000000x32xf32, #tpu.memory_space<hbm>>
    %dma_start3A_240 = tpu.memref_slice %arg7[%dma_start3A_229] : memref<2x!tpu.dma_semaphore, #tpu.memory_space<semaphore_mem>> -> memref<1x!tpu.dma_semaphore, #tpu.memory_space<semaphore_mem>>
    %dma_start3A_241 = tpu.memref_squeeze %dma_start3A_240 : memref<1x!tpu.dma_semaphore, #tpu.memory_space<semaphore_mem>> -> memref<!tpu.dma_semaphore, #tpu.memory_space<semaphore_mem>>
    tpu.enqueue_indirect_dma source(%dma_start3A_239 : memref<1000000x32xf32, #tpu.memory_space<hbm>>) target(%dma_start3A_233 : memref<128x32xf32, #tpu.memory_space<vmem>>) offsets(%dma_start3A_236 : memref<128xi32, #tpu.memory_space<vmem>>) semaphore(%dma_start3A_241 : memref<!tpu.dma_semaphore, #tpu.memory_space<semaphore_mem>>)
    %dma_start3A_242 = arith.constant 16 : i32
    %dma_start3A_243 = arith.constant 1 : i32
    %dma_start3A_244 = arith.constant 1 : i32
    %dma_start3A_245 = arith.constant 384 : i32
    %dma_start3A_246 = arith.constant 0 : i32
    %dma_start3A_247 = tpu.memref_slice %arg6[%dma_start3A_243, %dma_start3A_245, %dma_start3A_246] : memref<2x1664x32xf32, #tpu.memory_space<vmem>> -> memref<1x128x32xf32, #tpu.memory_space<vmem>>
    %dma_start3A_248 = tpu.memref_squeeze %dma_start3A_247 : memref<1x128x32xf32, #tpu.memory_space<vmem>> -> memref<128x32xf32, #tpu.memory_space<vmem>>
    %dma_start3A_249 = arith.constant 0 : i32
    %dma_start3A_250 = tpu.memref_slice %arg5[%dma_start3A_242, %dma_start3A_249] : memref<104x128xi32, #tpu.memory_space<vmem>> -> memref<1x128xi32, #tpu.memory_space<vmem>>
    %dma_start3A_251 = tpu.memref_squeeze %dma_start3A_250 : memref<1x128xi32, #tpu.memory_space<vmem>> -> memref<128xi32, #tpu.memory_space<vmem>>
    %dma_start3A_252 = arith.constant 0 : i32
    %dma_start3A_253 = arith.constant 0 : i32
    %dma_start3A_254 = tpu.memref_slice %arg3[%dma_start3A_252, %dma_start3A_253] : memref<1000000x32xf32, #tpu.memory_space<hbm>> -> memref<1000000x32xf32, #tpu.memory_space<hbm>>
    %dma_start3A_255 = tpu.memref_slice %arg7[%dma_start3A_244] : memref<2x!tpu.dma_semaphore, #tpu.memory_space<semaphore_mem>> -> memref<1x!tpu.dma_semaphore, #tpu.memory_space<semaphore_mem>>
    %dma_start3A_256 = tpu.memref_squeeze %dma_start3A_255 : memref<1x!tpu.dma_semaphore, #tpu.memory_space<semaphore_mem>> -> memref<!tpu.dma_semaphore, #tpu.memory_space<semaphore_mem>>
    tpu.enqueue_indirect_dma source(%dma_start3A_254 : memref<1000000x32xf32, #tpu.memory_space<hbm>>) target(%dma_start3A_248 : memref<128x32xf32, #tpu.memory_space<vmem>>) offsets(%dma_start3A_251 : memref<128xi32, #tpu.memory_space<vmem>>) semaphore(%dma_start3A_256 : memref<!tpu.dma_semaphore, #tpu.memory_space<semaphore_mem>>)
    %dma_start3A_257 = arith.constant 17 : i32
    %dma_start3A_258 = arith.constant 1 : i32
    %dma_start3A_259 = arith.constant 1 : i32
    %dma_start3A_260 = arith.constant 512 : i32
    %dma_start3A_261 = arith.constant 0 : i32
    %dma_start3A_262 = tpu.memref_slice %arg6[%dma_start3A_258, %dma_start3A_260, %dma_start3A_261] : memref<2x1664x32xf32, #tpu.memory_space<vmem>> -> memref<1x128x32xf32, #tpu.memory_space<vmem>>
    %dma_start3A_263 = tpu.memref_squeeze %dma_start3A_262 : memref<1x128x32xf32, #tpu.memory_space<vmem>> -> memref<128x32xf32, #tpu.memory_space<vmem>>
    %dma_start3A_264 = arith.constant 0 : i32
    %dma_start3A_265 = tpu.memref_slice %arg5[%dma_start3A_257, %dma_start3A_264] : memref<104x128xi32, #tpu.memory_space<vmem>> -> memref<1x128xi32, #tpu.memory_space<vmem>>
    %dma_start3A_266 = tpu.memref_squeeze %dma_start3A_265 : memref<1x128xi32, #tpu.memory_space<vmem>> -> memref<128xi32, #tpu.memory_space<vmem>>
    %dma_start3A_267 = arith.constant 0 : i32
    %dma_start3A_268 = arith.constant 0 : i32
    %dma_start3A_269 = tpu.memref_slice %arg3[%dma_start3A_267, %dma_start3A_268] : memref<1000000x32xf32, #tpu.memory_space<hbm>> -> memref<1000000x32xf32, #tpu.memory_space<hbm>>
    %dma_start3A_270 = tpu.memref_slice %arg7[%dma_start3A_259] : memref<2x!tpu.dma_semaphore, #tpu.memory_space<semaphore_mem>> -> memref<1x!tpu.dma_semaphore, #tpu.memory_space<semaphore_mem>>
    %dma_start3A_271 = tpu.memref_squeeze %dma_start3A_270 : memref<1x!tpu.dma_semaphore, #tpu.memory_space<semaphore_mem>> -> memref<!tpu.dma_semaphore, #tpu.memory_space<semaphore_mem>>
    tpu.enqueue_indirect_dma source(%dma_start3A_269 : memref<1000000x32xf32, #tpu.memory_space<hbm>>) target(%dma_start3A_263 : memref<128x32xf32, #tpu.memory_space<vmem>>) offsets(%dma_start3A_266 : memref<128xi32, #tpu.memory_space<vmem>>) semaphore(%dma_start3A_271 : memref<!tpu.dma_semaphore, #tpu.memory_space<semaphore_mem>>)
    %dma_start3A_272 = arith.constant 18 : i32
    %dma_start3A_273 = arith.constant 1 : i32
    %dma_start3A_274 = arith.constant 1 : i32
    %dma_start3A_275 = arith.constant 640 : i32
    %dma_start3A_276 = arith.constant 0 : i32
    %dma_start3A_277 = tpu.memref_slice %arg6[%dma_start3A_273, %dma_start3A_275, %dma_start3A_276] : memref<2x1664x32xf32, #tpu.memory_space<vmem>> -> memref<1x128x32xf32, #tpu.memory_space<vmem>>
    %dma_start3A_278 = tpu.memref_squeeze %dma_start3A_277 : memref<1x128x32xf32, #tpu.memory_space<vmem>> -> memref<128x32xf32, #tpu.memory_space<vmem>>
    %dma_start3A_279 = arith.constant 0 : i32
    %dma_start3A_280 = tpu.memref_slice %arg5[%dma_start3A_272, %dma_start3A_279] : memref<104x128xi32, #tpu.memory_space<vmem>> -> memref<1x128xi32, #tpu.memory_space<vmem>>
    %dma_start3A_281 = tpu.memref_squeeze %dma_start3A_280 : memref<1x128xi32, #tpu.memory_space<vmem>> -> memref<128xi32, #tpu.memory_space<vmem>>
    %dma_start3A_282 = arith.constant 0 : i32
    %dma_start3A_283 = arith.constant 0 : i32
    %dma_start3A_284 = tpu.memref_slice %arg3[%dma_start3A_282, %dma_start3A_283] : memref<1000000x32xf32, #tpu.memory_space<hbm>> -> memref<1000000x32xf32, #tpu.memory_space<hbm>>
    %dma_start3A_285 = tpu.memref_slice %arg7[%dma_start3A_274] : memref<2x!tpu.dma_semaphore, #tpu.memory_space<semaphore_mem>> -> memref<1x!tpu.dma_semaphore, #tpu.memory_space<semaphore_mem>>
    %dma_start3A_286 = tpu.memref_squeeze %dma_start3A_285 : memref<1x!tpu.dma_semaphore, #tpu.memory_space<semaphore_mem>> -> memref<!tpu.dma_semaphore, #tpu.memory_space<semaphore_mem>>
    tpu.enqueue_indirect_dma source(%dma_start3A_284 : memref<1000000x32xf32, #tpu.memory_space<hbm>>) target(%dma_start3A_278 : memref<128x32xf32, #tpu.memory_space<vmem>>) offsets(%dma_start3A_281 : memref<128xi32, #tpu.memory_space<vmem>>) semaphore(%dma_start3A_286 : memref<!tpu.dma_semaphore, #tpu.memory_space<semaphore_mem>>)
    %dma_start3A_287 = arith.constant 19 : i32
    %dma_start3A_288 = arith.constant 1 : i32
    %dma_start3A_289 = arith.constant 1 : i32
    %dma_start3A_290 = arith.constant 768 : i32
    %dma_start3A_291 = arith.constant 0 : i32
    %dma_start3A_292 = tpu.memref_slice %arg6[%dma_start3A_288, %dma_start3A_290, %dma_start3A_291] : memref<2x1664x32xf32, #tpu.memory_space<vmem>> -> memref<1x128x32xf32, #tpu.memory_space<vmem>>
    %dma_start3A_293 = tpu.memref_squeeze %dma_start3A_292 : memref<1x128x32xf32, #tpu.memory_space<vmem>> -> memref<128x32xf32, #tpu.memory_space<vmem>>
    %dma_start3A_294 = arith.constant 0 : i32
    %dma_start3A_295 = tpu.memref_slice %arg5[%dma_start3A_287, %dma_start3A_294] : memref<104x128xi32, #tpu.memory_space<vmem>> -> memref<1x128xi32, #tpu.memory_space<vmem>>
    %dma_start3A_296 = tpu.memref_squeeze %dma_start3A_295 : memref<1x128xi32, #tpu.memory_space<vmem>> -> memref<128xi32, #tpu.memory_space<vmem>>
    %dma_start3A_297 = arith.constant 0 : i32
    %dma_start3A_298 = arith.constant 0 : i32
    %dma_start3A_299 = tpu.memref_slice %arg3[%dma_start3A_297, %dma_start3A_298] : memref<1000000x32xf32, #tpu.memory_space<hbm>> -> memref<1000000x32xf32, #tpu.memory_space<hbm>>
    %dma_start3A_300 = tpu.memref_slice %arg7[%dma_start3A_289] : memref<2x!tpu.dma_semaphore, #tpu.memory_space<semaphore_mem>> -> memref<1x!tpu.dma_semaphore, #tpu.memory_space<semaphore_mem>>
    %dma_start3A_301 = tpu.memref_squeeze %dma_start3A_300 : memref<1x!tpu.dma_semaphore, #tpu.memory_space<semaphore_mem>> -> memref<!tpu.dma_semaphore, #tpu.memory_space<semaphore_mem>>
    tpu.enqueue_indirect_dma source(%dma_start3A_299 : memref<1000000x32xf32, #tpu.memory_space<hbm>>) target(%dma_start3A_293 : memref<128x32xf32, #tpu.memory_space<vmem>>) offsets(%dma_start3A_296 : memref<128xi32, #tpu.memory_space<vmem>>) semaphore(%dma_start3A_301 : memref<!tpu.dma_semaphore, #tpu.memory_space<semaphore_mem>>)
    %dma_start3A_302 = arith.constant 20 : i32
    %dma_start3A_303 = arith.constant 1 : i32
    %dma_start3A_304 = arith.constant 1 : i32
    %dma_start3A_305 = arith.constant 896 : i32
    %dma_start3A_306 = arith.constant 0 : i32
    %dma_start3A_307 = tpu.memref_slice %arg6[%dma_start3A_303, %dma_start3A_305, %dma_start3A_306] : memref<2x1664x32xf32, #tpu.memory_space<vmem>> -> memref<1x128x32xf32, #tpu.memory_space<vmem>>
    %dma_start3A_308 = tpu.memref_squeeze %dma_start3A_307 : memref<1x128x32xf32, #tpu.memory_space<vmem>> -> memref<128x32xf32, #tpu.memory_space<vmem>>
    %dma_start3A_309 = arith.constant 0 : i32
    %dma_start3A_310 = tpu.memref_slice %arg5[%dma_start3A_302, %dma_start3A_309] : memref<104x128xi32, #tpu.memory_space<vmem>> -> memref<1x128xi32, #tpu.memory_space<vmem>>
    %dma_start3A_311 = tpu.memref_squeeze %dma_start3A_310 : memref<1x128xi32, #tpu.memory_space<vmem>> -> memref<128xi32, #tpu.memory_space<vmem>>
    %dma_start3A_312 = arith.constant 0 : i32
    %dma_start3A_313 = arith.constant 0 : i32
    %dma_start3A_314 = tpu.memref_slice %arg3[%dma_start3A_312, %dma_start3A_313] : memref<1000000x32xf32, #tpu.memory_space<hbm>> -> memref<1000000x32xf32, #tpu.memory_space<hbm>>
    %dma_start3A_315 = tpu.memref_slice %arg7[%dma_start3A_304] : memref<2x!tpu.dma_semaphore, #tpu.memory_space<semaphore_mem>> -> memref<1x!tpu.dma_semaphore, #tpu.memory_space<semaphore_mem>>
    %dma_start3A_316 = tpu.memref_squeeze %dma_start3A_315 : memref<1x!tpu.dma_semaphore, #tpu.memory_space<semaphore_mem>> -> memref<!tpu.dma_semaphore, #tpu.memory_space<semaphore_mem>>
    tpu.enqueue_indirect_dma source(%dma_start3A_314 : memref<1000000x32xf32, #tpu.memory_space<hbm>>) target(%dma_start3A_308 : memref<128x32xf32, #tpu.memory_space<vmem>>) offsets(%dma_start3A_311 : memref<128xi32, #tpu.memory_space<vmem>>) semaphore(%dma_start3A_316 : memref<!tpu.dma_semaphore, #tpu.memory_space<semaphore_mem>>)
    %dma_start3A_317 = arith.constant 21 : i32
    %dma_start3A_318 = arith.constant 1 : i32
    %dma_start3A_319 = arith.constant 1 : i32
    %dma_start3A_320 = arith.constant 1024 : i32
    %dma_start3A_321 = arith.constant 0 : i32
    %dma_start3A_322 = tpu.memref_slice %arg6[%dma_start3A_318, %dma_start3A_320, %dma_start3A_321] : memref<2x1664x32xf32, #tpu.memory_space<vmem>> -> memref<1x128x32xf32, #tpu.memory_space<vmem>>
    %dma_start3A_323 = tpu.memref_squeeze %dma_start3A_322 : memref<1x128x32xf32, #tpu.memory_space<vmem>> -> memref<128x32xf32, #tpu.memory_space<vmem>>
    %dma_start3A_324 = arith.constant 0 : i32
    %dma_start3A_325 = tpu.memref_slice %arg5[%dma_start3A_317, %dma_start3A_324] : memref<104x128xi32, #tpu.memory_space<vmem>> -> memref<1x128xi32, #tpu.memory_space<vmem>>
    %dma_start3A_326 = tpu.memref_squeeze %dma_start3A_325 : memref<1x128xi32, #tpu.memory_space<vmem>> -> memref<128xi32, #tpu.memory_space<vmem>>
    %dma_start3A_327 = arith.constant 0 : i32
    %dma_start3A_328 = arith.constant 0 : i32
    %dma_start3A_329 = tpu.memref_slice %arg3[%dma_start3A_327, %dma_start3A_328] : memref<1000000x32xf32, #tpu.memory_space<hbm>> -> memref<1000000x32xf32, #tpu.memory_space<hbm>>
    %dma_start3A_330 = tpu.memref_slice %arg7[%dma_start3A_319] : memref<2x!tpu.dma_semaphore, #tpu.memory_space<semaphore_mem>> -> memref<1x!tpu.dma_semaphore, #tpu.memory_space<semaphore_mem>>
    %dma_start3A_331 = tpu.memref_squeeze %dma_start3A_330 : memref<1x!tpu.dma_semaphore, #tpu.memory_space<semaphore_mem>> -> memref<!tpu.dma_semaphore, #tpu.memory_space<semaphore_mem>>
    tpu.enqueue_indirect_dma source(%dma_start3A_329 : memref<1000000x32xf32, #tpu.memory_space<hbm>>) target(%dma_start3A_323 : memref<128x32xf32, #tpu.memory_space<vmem>>) offsets(%dma_start3A_326 : memref<128xi32, #tpu.memory_space<vmem>>) semaphore(%dma_start3A_331 : memref<!tpu.dma_semaphore, #tpu.memory_space<semaphore_mem>>)
    %dma_start3A_332 = arith.constant 22 : i32
    %dma_start3A_333 = arith.constant 1 : i32
    %dma_start3A_334 = arith.constant 1 : i32
    %dma_start3A_335 = arith.constant 1152 : i32
    %dma_start3A_336 = arith.constant 0 : i32
    %dma_start3A_337 = tpu.memref_slice %arg6[%dma_start3A_333, %dma_start3A_335, %dma_start3A_336] : memref<2x1664x32xf32, #tpu.memory_space<vmem>> -> memref<1x128x32xf32, #tpu.memory_space<vmem>>
    %dma_start3A_338 = tpu.memref_squeeze %dma_start3A_337 : memref<1x128x32xf32, #tpu.memory_space<vmem>> -> memref<128x32xf32, #tpu.memory_space<vmem>>
    %dma_start3A_339 = arith.constant 0 : i32
    %dma_start3A_340 = tpu.memref_slice %arg5[%dma_start3A_332, %dma_start3A_339] : memref<104x128xi32, #tpu.memory_space<vmem>> -> memref<1x128xi32, #tpu.memory_space<vmem>>
    %dma_start3A_341 = tpu.memref_squeeze %dma_start3A_340 : memref<1x128xi32, #tpu.memory_space<vmem>> -> memref<128xi32, #tpu.memory_space<vmem>>
    %dma_start3A_342 = arith.constant 0 : i32
    %dma_start3A_343 = arith.constant 0 : i32
    %dma_start3A_344 = tpu.memref_slice %arg3[%dma_start3A_342, %dma_start3A_343] : memref<1000000x32xf32, #tpu.memory_space<hbm>> -> memref<1000000x32xf32, #tpu.memory_space<hbm>>
    %dma_start3A_345 = tpu.memref_slice %arg7[%dma_start3A_334] : memref<2x!tpu.dma_semaphore, #tpu.memory_space<semaphore_mem>> -> memref<1x!tpu.dma_semaphore, #tpu.memory_space<semaphore_mem>>
    %dma_start3A_346 = tpu.memref_squeeze %dma_start3A_345 : memref<1x!tpu.dma_semaphore, #tpu.memory_space<semaphore_mem>> -> memref<!tpu.dma_semaphore, #tpu.memory_space<semaphore_mem>>
    tpu.enqueue_indirect_dma source(%dma_start3A_344 : memref<1000000x32xf32, #tpu.memory_space<hbm>>) target(%dma_start3A_338 : memref<128x32xf32, #tpu.memory_space<vmem>>) offsets(%dma_start3A_341 : memref<128xi32, #tpu.memory_space<vmem>>) semaphore(%dma_start3A_346 : memref<!tpu.dma_semaphore, #tpu.memory_space<semaphore_mem>>)
    %dma_start3A_347 = arith.constant 23 : i32
    %dma_start3A_348 = arith.constant 1 : i32
    %dma_start3A_349 = arith.constant 1 : i32
    %dma_start3A_350 = arith.constant 1280 : i32
    %dma_start3A_351 = arith.constant 0 : i32
    %dma_start3A_352 = tpu.memref_slice %arg6[%dma_start3A_348, %dma_start3A_350, %dma_start3A_351] : memref<2x1664x32xf32, #tpu.memory_space<vmem>> -> memref<1x128x32xf32, #tpu.memory_space<vmem>>
    %dma_start3A_353 = tpu.memref_squeeze %dma_start3A_352 : memref<1x128x32xf32, #tpu.memory_space<vmem>> -> memref<128x32xf32, #tpu.memory_space<vmem>>
    %dma_start3A_354 = arith.constant 0 : i32
    %dma_start3A_355 = tpu.memref_slice %arg5[%dma_start3A_347, %dma_start3A_354] : memref<104x128xi32, #tpu.memory_space<vmem>> -> memref<1x128xi32, #tpu.memory_space<vmem>>
    %dma_start3A_356 = tpu.memref_squeeze %dma_start3A_355 : memref<1x128xi32, #tpu.memory_space<vmem>> -> memref<128xi32, #tpu.memory_space<vmem>>
    %dma_start3A_357 = arith.constant 0 : i32
    %dma_start3A_358 = arith.constant 0 : i32
    %dma_start3A_359 = tpu.memref_slice %arg3[%dma_start3A_357, %dma_start3A_358] : memref<1000000x32xf32, #tpu.memory_space<hbm>> -> memref<1000000x32xf32, #tpu.memory_space<hbm>>
    %dma_start3A_360 = tpu.memref_slice %arg7[%dma_start3A_349] : memref<2x!tpu.dma_semaphore, #tpu.memory_space<semaphore_mem>> -> memref<1x!tpu.dma_semaphore, #tpu.memory_space<semaphore_mem>>
    %dma_start3A_361 = tpu.memref_squeeze %dma_start3A_360 : memref<1x!tpu.dma_semaphore, #tpu.memory_space<semaphore_mem>> -> memref<!tpu.dma_semaphore, #tpu.memory_space<semaphore_mem>>
    tpu.enqueue_indirect_dma source(%dma_start3A_359 : memref<1000000x32xf32, #tpu.memory_space<hbm>>) target(%dma_start3A_353 : memref<128x32xf32, #tpu.memory_space<vmem>>) offsets(%dma_start3A_356 : memref<128xi32, #tpu.memory_space<vmem>>) semaphore(%dma_start3A_361 : memref<!tpu.dma_semaphore, #tpu.memory_space<semaphore_mem>>)
    %dma_start3A_362 = arith.constant 24 : i32
    %dma_start3A_363 = arith.constant 1 : i32
    %dma_start3A_364 = arith.constant 1 : i32
    %dma_start3A_365 = arith.constant 1408 : i32
    %dma_start3A_366 = arith.constant 0 : i32
    %dma_start3A_367 = tpu.memref_slice %arg6[%dma_start3A_363, %dma_start3A_365, %dma_start3A_366] : memref<2x1664x32xf32, #tpu.memory_space<vmem>> -> memref<1x128x32xf32, #tpu.memory_space<vmem>>
    %dma_start3A_368 = tpu.memref_squeeze %dma_start3A_367 : memref<1x128x32xf32, #tpu.memory_space<vmem>> -> memref<128x32xf32, #tpu.memory_space<vmem>>
    %dma_start3A_369 = arith.constant 0 : i32
    %dma_start3A_370 = tpu.memref_slice %arg5[%dma_start3A_362, %dma_start3A_369] : memref<104x128xi32, #tpu.memory_space<vmem>> -> memref<1x128xi32, #tpu.memory_space<vmem>>
    %dma_start3A_371 = tpu.memref_squeeze %dma_start3A_370 : memref<1x128xi32, #tpu.memory_space<vmem>> -> memref<128xi32, #tpu.memory_space<vmem>>
    %dma_start3A_372 = arith.constant 0 : i32
    %dma_start3A_373 = arith.constant 0 : i32
    %dma_start3A_374 = tpu.memref_slice %arg3[%dma_start3A_372, %dma_start3A_373] : memref<1000000x32xf32, #tpu.memory_space<hbm>> -> memref<1000000x32xf32, #tpu.memory_space<hbm>>
    %dma_start3A_375 = tpu.memref_slice %arg7[%dma_start3A_364] : memref<2x!tpu.dma_semaphore, #tpu.memory_space<semaphore_mem>> -> memref<1x!tpu.dma_semaphore, #tpu.memory_space<semaphore_mem>>
    %dma_start3A_376 = tpu.memref_squeeze %dma_start3A_375 : memref<1x!tpu.dma_semaphore, #tpu.memory_space<semaphore_mem>> -> memref<!tpu.dma_semaphore, #tpu.memory_space<semaphore_mem>>
    tpu.enqueue_indirect_dma source(%dma_start3A_374 : memref<1000000x32xf32, #tpu.memory_space<hbm>>) target(%dma_start3A_368 : memref<128x32xf32, #tpu.memory_space<vmem>>) offsets(%dma_start3A_371 : memref<128xi32, #tpu.memory_space<vmem>>) semaphore(%dma_start3A_376 : memref<!tpu.dma_semaphore, #tpu.memory_space<semaphore_mem>>)
    %dma_start3A_377 = arith.constant 25 : i32
    %dma_start3A_378 = arith.constant 1 : i32
    %dma_start3A_379 = arith.constant 1 : i32
    %dma_start3A_380 = arith.constant 1536 : i32
    %dma_start3A_381 = arith.constant 0 : i32
    %dma_start3A_382 = tpu.memref_slice %arg6[%dma_start3A_378, %dma_start3A_380, %dma_start3A_381] : memref<2x1664x32xf32, #tpu.memory_space<vmem>> -> memref<1x128x32xf32, #tpu.memory_space<vmem>>
    %dma_start3A_383 = tpu.memref_squeeze %dma_start3A_382 : memref<1x128x32xf32, #tpu.memory_space<vmem>> -> memref<128x32xf32, #tpu.memory_space<vmem>>
    %dma_start3A_384 = arith.constant 0 : i32
    %dma_start3A_385 = tpu.memref_slice %arg5[%dma_start3A_377, %dma_start3A_384] : memref<104x128xi32, #tpu.memory_space<vmem>> -> memref<1x128xi32, #tpu.memory_space<vmem>>
    %dma_start3A_386 = tpu.memref_squeeze %dma_start3A_385 : memref<1x128xi32, #tpu.memory_space<vmem>> -> memref<128xi32, #tpu.memory_space<vmem>>
    %dma_start3A_387 = arith.constant 0 : i32
    %dma_start3A_388 = arith.constant 0 : i32
    %dma_start3A_389 = tpu.memref_slice %arg3[%dma_start3A_387, %dma_start3A_388] : memref<1000000x32xf32, #tpu.memory_space<hbm>> -> memref<1000000x32xf32, #tpu.memory_space<hbm>>
    %dma_start3A_390 = tpu.memref_slice %arg7[%dma_start3A_379] : memref<2x!tpu.dma_semaphore, #tpu.memory_space<semaphore_mem>> -> memref<1x!tpu.dma_semaphore, #tpu.memory_space<semaphore_mem>>
    %dma_start3A_391 = tpu.memref_squeeze %dma_start3A_390 : memref<1x!tpu.dma_semaphore, #tpu.memory_space<semaphore_mem>> -> memref<!tpu.dma_semaphore, #tpu.memory_space<semaphore_mem>>
    tpu.enqueue_indirect_dma source(%dma_start3A_389 : memref<1000000x32xf32, #tpu.memory_space<hbm>>) target(%dma_start3A_383 : memref<128x32xf32, #tpu.memory_space<vmem>>) offsets(%dma_start3A_386 : memref<128xi32, #tpu.memory_space<vmem>>) semaphore(%dma_start3A_391 : memref<!tpu.dma_semaphore, #tpu.memory_space<semaphore_mem>>)
    %scan3A = arith.constant 0 : i32
    %scan3A_392 = arith.constant 8 : i32
    %scan3A_393 = arith.addi %scan3A, %scan3A_392 : i32
    %scan3A_394 = arith.constant 1 : i32
    scf.for %scan3A_396 = %scan3A to %scan3A_393 step %scan3A_394  : i32 {
      %mul3A_397 = arith.constant 1 : i32
      %mul3A_398 = arith.muli %scan3A_396, %mul3A_397 : i32
      %add3A_399 = arith.constant 0 : i32
      %add3A_400 = arith.addi %add3A_399, %mul3A_398 : i32
      %jit3A = arith.constant 2 : i32
      %eq3A = arith.constant 0 : i32
      %eq3A_401 = arith.cmpi eq, %jit3A, %eq3A : i32
      %jit3A_402 = arith.constant 1 : i32
      %select_n3A = arith.select %eq3A_401, %jit3A_402, %jit3A : i32
      %rem3A = arith.remsi %add3A_400, %select_n3A : i32
      %ne3A = arith.constant 0 : i32
      %ne3A_403 = arith.cmpi ne, %rem3A, %ne3A : i32
      %lt3A = arith.constant 0 : i32
      %lt3A_404 = arith.cmpi slt, %rem3A, %lt3A : i32
      %lt3A_405 = arith.constant 0 : i32
      %lt3A_406 = arith.cmpi slt, %select_n3A, %lt3A_405 : i32
      %ne3A_407 = arith.xori %lt3A_404, %lt3A_406 : i1
      %and3A = arith.andi %ne3A_407, %ne3A_403 : i1
      %add3A_408 = arith.addi %rem3A, %select_n3A : i32
      %select_n3A_409 = arith.select %and3A, %add3A_408, %rem3A : i32
      %dma_wait3A = arith.constant 0 : i32
      %dma_wait3A_410 = arith.constant 0 : i32
      %dma_wait3A_411 = tpu.memref_slice %arg6[%select_n3A_409, %dma_wait3A, %dma_wait3A_410] : memref<2x1664x32xf32, #tpu.memory_space<vmem>> -> memref<1x1664x32xf32, #tpu.memory_space<vmem>>
      %dma_wait3A_412 = tpu.memref_squeeze %dma_wait3A_411 : memref<1x1664x32xf32, #tpu.memory_space<vmem>> -> memref<1664x32xf32, #tpu.memory_space<vmem>>
      %dma_wait3A_413 = arith.constant 0 : i32
      %dma_wait3A_414 = arith.constant 0 : i32
      %dma_wait3A_415 = tpu.memref_slice %arg3[%dma_wait3A_413, %dma_wait3A_414] : memref<1000000x32xf32, #tpu.memory_space<hbm>> -> memref<1664x32xf32, #tpu.memory_space<hbm>>
      %dma_wait3A_416 = tpu.memref_slice %arg7[%select_n3A_409] : memref<2x!tpu.dma_semaphore, #tpu.memory_space<semaphore_mem>> -> memref<1x!tpu.dma_semaphore, #tpu.memory_space<semaphore_mem>>
      %dma_wait3A_417 = tpu.memref_squeeze %dma_wait3A_416 : memref<1x!tpu.dma_semaphore, #tpu.memory_space<semaphore_mem>> -> memref<!tpu.dma_semaphore, #tpu.memory_space<semaphore_mem>>
      %dma_wait3A_418 = arith.constant 0 : i32
      %dma_wait3A_419 = arith.constant 0 : i32
      %dma_wait3A_420 = tpu.memref_slice %arg6[%select_n3A_409, %dma_wait3A_418, %dma_wait3A_419] : memref<2x1664x32xf32, #tpu.memory_space<vmem>> -> memref<1x1664x32xf32, #tpu.memory_space<vmem>>
      %dma_wait3A_421 = tpu.memref_squeeze %dma_wait3A_420 : memref<1x1664x32xf32, #tpu.memory_space<vmem>> -> memref<1664x32xf32, #tpu.memory_space<vmem>>
      %dma_wait3A_422 = arith.constant 0 : i32
      %dma_wait3A_423 = arith.constant 0 : i32
      %dma_wait3A_424 = tpu.memref_slice %arg3[%dma_wait3A_422, %dma_wait3A_423] : memref<1000000x32xf32, #tpu.memory_space<hbm>> -> memref<1664x32xf32, #tpu.memory_space<hbm>>
      tpu.wait_dma2 semaphore(%dma_wait3A_417 : memref<!tpu.dma_semaphore, #tpu.memory_space<semaphore_mem>>) src(%dma_wait3A_424 : memref<1664x32xf32, #tpu.memory_space<hbm>>) dst(%dma_wait3A_421 : memref<1664x32xf32, #tpu.memory_space<vmem>>)
      %mul3A_425 = arith.constant 1664 : i32
      %mul3A_426 = arith.muli %add3A_400, %mul3A_425 : i32
      %add3A_427 = arith.addi %mul3A_2, %mul3A_426 : i32
      %dma_start3A_428 = arith.constant 0 : i32
      %dma_start3A_429 = arith.constant 0 : i32
      %dma_start3A_430 = tpu.memref_slice %arg6[%select_n3A_409, %dma_start3A_428, %dma_start3A_429] : memref<2x1664x32xf32, #tpu.memory_space<vmem>> -> memref<1x1664x32xf32, #tpu.memory_space<vmem>>
      %dma_start3A_431 = tpu.memref_squeeze %dma_start3A_430 : memref<1x1664x32xf32, #tpu.memory_space<vmem>> -> memref<1664x32xf32, #tpu.memory_space<vmem>>
      %dma_start3A_432 = arith.constant 0 : i32
      %dma_start3A_433 = tpu.memref_slice %arg4[%add3A_427, %dma_start3A_432] : memref<425984x32xf32, #tpu.memory_space<hbm>> -> memref<1664x32xf32, #tpu.memory_space<hbm>>
      %dma_start3A_434 = tpu.memref_slice %arg8[%select_n3A_409] : memref<2x!tpu.dma_semaphore, #tpu.memory_space<semaphore_mem>> -> memref<1x!tpu.dma_semaphore, #tpu.memory_space<semaphore_mem>>
      %dma_start3A_435 = tpu.memref_squeeze %dma_start3A_434 : memref<1x!tpu.dma_semaphore, #tpu.memory_space<semaphore_mem>> -> memref<!tpu.dma_semaphore, #tpu.memory_space<semaphore_mem>>
      %dma_start3A_436 = arith.constant 0 : i32
      %dma_start3A_437 = tpu.memref_slice %arg4[%add3A_427, %dma_start3A_436] : memref<425984x32xf32, #tpu.memory_space<hbm>> -> memref<1664x32xf32, #tpu.memory_space<hbm>>
      %dma_start3A_438 = arith.constant 0 : i32
      %dma_start3A_439 = arith.constant 0 : i32
      %dma_start3A_440 = tpu.memref_slice %arg6[%select_n3A_409, %dma_start3A_438, %dma_start3A_439] : memref<2x1664x32xf32, #tpu.memory_space<vmem>> -> memref<1x1664x32xf32, #tpu.memory_space<vmem>>
      %dma_start3A_441 = tpu.memref_squeeze %dma_start3A_440 : memref<1x1664x32xf32, #tpu.memory_space<vmem>> -> memref<1664x32xf32, #tpu.memory_space<vmem>>
      tpu.enqueue_dma source(%dma_start3A_441 : memref<1664x32xf32, #tpu.memory_space<vmem>>) target(%dma_start3A_437 : memref<1664x32xf32, #tpu.memory_space<hbm>>) target_semaphore(%dma_start3A_435 : memref<!tpu.dma_semaphore, #tpu.memory_space<semaphore_mem>>)
      %dma_wait3A_442 = arith.constant 0 : i32
      %dma_wait3A_443 = arith.constant 0 : i32
      %dma_wait3A_444 = tpu.memref_slice %arg6[%select_n3A_409, %dma_wait3A_442, %dma_wait3A_443] : memref<2x1664x32xf32, #tpu.memory_space<vmem>> -> memref<1x1664x32xf32, #tpu.memory_space<vmem>>
      %dma_wait3A_445 = tpu.memref_squeeze %dma_wait3A_444 : memref<1x1664x32xf32, #tpu.memory_space<vmem>> -> memref<1664x32xf32, #tpu.memory_space<vmem>>
      %dma_wait3A_446 = arith.constant 0 : i32
      %dma_wait3A_447 = tpu.memref_slice %arg4[%add3A_427, %dma_wait3A_446] : memref<425984x32xf32, #tpu.memory_space<hbm>> -> memref<1664x32xf32, #tpu.memory_space<hbm>>
      %dma_wait3A_448 = tpu.memref_slice %arg8[%select_n3A_409] : memref<2x!tpu.dma_semaphore, #tpu.memory_space<semaphore_mem>> -> memref<1x!tpu.dma_semaphore, #tpu.memory_space<semaphore_mem>>
      %dma_wait3A_449 = tpu.memref_squeeze %dma_wait3A_448 : memref<1x!tpu.dma_semaphore, #tpu.memory_space<semaphore_mem>> -> memref<!tpu.dma_semaphore, #tpu.memory_space<semaphore_mem>>
      %dma_wait3A_450 = arith.constant 0 : i32
      %dma_wait3A_451 = tpu.memref_slice %arg4[%add3A_427, %dma_wait3A_450] : memref<425984x32xf32, #tpu.memory_space<hbm>> -> memref<1664x32xf32, #tpu.memory_space<hbm>>
      %dma_wait3A_452 = arith.constant 0 : i32
      %dma_wait3A_453 = arith.constant 0 : i32
      %dma_wait3A_454 = tpu.memref_slice %arg6[%select_n3A_409, %dma_wait3A_452, %dma_wait3A_453] : memref<2x1664x32xf32, #tpu.memory_space<vmem>> -> memref<1x1664x32xf32, #tpu.memory_space<vmem>>
      %dma_wait3A_455 = tpu.memref_squeeze %dma_wait3A_454 : memref<1x1664x32xf32, #tpu.memory_space<vmem>> -> memref<1664x32xf32, #tpu.memory_space<vmem>>
      tpu.wait_dma2 semaphore(%dma_wait3A_449 : memref<!tpu.dma_semaphore, #tpu.memory_space<semaphore_mem>>) src(%dma_wait3A_455 : memref<1664x32xf32, #tpu.memory_space<vmem>>) dst(%dma_wait3A_451 : memref<1664x32xf32, #tpu.memory_space<hbm>>)
      %add3A_456 = arith.constant 2 : i32
      %add3A_457 = arith.addi %add3A_400, %add3A_456 : i32
      %lt3A_458 = arith.constant 8 : i32
      %lt3A_459 = arith.cmpi slt, %add3A_457, %lt3A_458 : i32
      %convert_element_type3A = arith.extui %lt3A_459 : i1 to i32
      %cond3A = arith.constant 0 : i32
      %cond3A_460 = arith.cmpi ne, %convert_element_type3A, %cond3A : i32
      scf.if %cond3A_460 {
        %add3A_461 = arith.constant 2 : i32
        %add3A_462 = arith.addi %add3A_400, %add3A_461 : i32
        %mul3A_463 = arith.constant 13 : i32
        %mul3A_464 = arith.muli %add3A_462, %mul3A_463 : i32
        %add3A_465 = arith.constant 0 : i32
        %add3A_466 = arith.addi %mul3A_464, %add3A_465 : i32
        %dma_start3A_467 = arith.constant 0 : i32
        %dma_start3A_468 = arith.constant 0 : i32
        %dma_start3A_469 = tpu.memref_slice %arg6[%select_n3A_409, %dma_start3A_467, %dma_start3A_468] : memref<2x1664x32xf32, #tpu.memory_space<vmem>> -> memref<1x128x32xf32, #tpu.memory_space<vmem>>
        %dma_start3A_470 = tpu.memref_squeeze %dma_start3A_469 : memref<1x128x32xf32, #tpu.memory_space<vmem>> -> memref<128x32xf32, #tpu.memory_space<vmem>>
        %dma_start3A_471 = arith.constant 0 : i32
        %dma_start3A_472 = tpu.memref_slice %arg5[%add3A_466, %dma_start3A_471] : memref<104x128xi32, #tpu.memory_space<vmem>> -> memref<1x128xi32, #tpu.memory_space<vmem>>
        %dma_start3A_473 = tpu.memref_squeeze %dma_start3A_472 : memref<1x128xi32, #tpu.memory_space<vmem>> -> memref<128xi32, #tpu.memory_space<vmem>>
        %dma_start3A_474 = arith.constant 0 : i32
        %dma_start3A_475 = arith.constant 0 : i32
        %dma_start3A_476 = tpu.memref_slice %arg3[%dma_start3A_474, %dma_start3A_475] : memref<1000000x32xf32, #tpu.memory_space<hbm>> -> memref<1000000x32xf32, #tpu.memory_space<hbm>>
        %dma_start3A_477 = tpu.memref_slice %arg7[%select_n3A_409] : memref<2x!tpu.dma_semaphore, #tpu.memory_space<semaphore_mem>> -> memref<1x!tpu.dma_semaphore, #tpu.memory_space<semaphore_mem>>
        %dma_start3A_478 = tpu.memref_squeeze %dma_start3A_477 : memref<1x!tpu.dma_semaphore, #tpu.memory_space<semaphore_mem>> -> memref<!tpu.dma_semaphore, #tpu.memory_space<semaphore_mem>>
        tpu.enqueue_indirect_dma source(%dma_start3A_476 : memref<1000000x32xf32, #tpu.memory_space<hbm>>) target(%dma_start3A_470 : memref<128x32xf32, #tpu.memory_space<vmem>>) offsets(%dma_start3A_473 : memref<128xi32, #tpu.memory_space<vmem>>) semaphore(%dma_start3A_478 : memref<!tpu.dma_semaphore, #tpu.memory_space<semaphore_mem>>)
        %mul3A_479 = arith.constant 13 : i32
        %mul3A_480 = arith.muli %add3A_462, %mul3A_479 : i32
        %add3A_481 = arith.constant 1 : i32
        %add3A_482 = arith.addi %mul3A_480, %add3A_481 : i32
        %dma_start3A_483 = arith.constant 128 : i32
        %dma_start3A_484 = arith.constant 0 : i32
        %dma_start3A_485 = tpu.memref_slice %arg6[%select_n3A_409, %dma_start3A_483, %dma_start3A_484] : memref<2x1664x32xf32, #tpu.memory_space<vmem>> -> memref<1x128x32xf32, #tpu.memory_space<vmem>>
        %dma_start3A_486 = tpu.memref_squeeze %dma_start3A_485 : memref<1x128x32xf32, #tpu.memory_space<vmem>> -> memref<128x32xf32, #tpu.memory_space<vmem>>
        %dma_start3A_487 = arith.constant 0 : i32
        %dma_start3A_488 = tpu.memref_slice %arg5[%add3A_482, %dma_start3A_487] : memref<104x128xi32, #tpu.memory_space<vmem>> -> memref<1x128xi32, #tpu.memory_space<vmem>>
        %dma_start3A_489 = tpu.memref_squeeze %dma_start3A_488 : memref<1x128xi32, #tpu.memory_space<vmem>> -> memref<128xi32, #tpu.memory_space<vmem>>
        %dma_start3A_490 = arith.constant 0 : i32
        %dma_start3A_491 = arith.constant 0 : i32
        %dma_start3A_492 = tpu.memref_slice %arg3[%dma_start3A_490, %dma_start3A_491] : memref<1000000x32xf32, #tpu.memory_space<hbm>> -> memref<1000000x32xf32, #tpu.memory_space<hbm>>
        %dma_start3A_493 = tpu.memref_slice %arg7[%select_n3A_409] : memref<2x!tpu.dma_semaphore, #tpu.memory_space<semaphore_mem>> -> memref<1x!tpu.dma_semaphore, #tpu.memory_space<semaphore_mem>>
        %dma_start3A_494 = tpu.memref_squeeze %dma_start3A_493 : memref<1x!tpu.dma_semaphore, #tpu.memory_space<semaphore_mem>> -> memref<!tpu.dma_semaphore, #tpu.memory_space<semaphore_mem>>
        tpu.enqueue_indirect_dma source(%dma_start3A_492 : memref<1000000x32xf32, #tpu.memory_space<hbm>>) target(%dma_start3A_486 : memref<128x32xf32, #tpu.memory_space<vmem>>) offsets(%dma_start3A_489 : memref<128xi32, #tpu.memory_space<vmem>>) semaphore(%dma_start3A_494 : memref<!tpu.dma_semaphore, #tpu.memory_space<semaphore_mem>>)
        %mul3A_495 = arith.constant 13 : i32
        %mul3A_496 = arith.muli %add3A_462, %mul3A_495 : i32
        %add3A_497 = arith.constant 2 : i32
        %add3A_498 = arith.addi %mul3A_496, %add3A_497 : i32
        %dma_start3A_499 = arith.constant 256 : i32
        %dma_start3A_500 = arith.constant 0 : i32
        %dma_start3A_501 = tpu.memref_slice %arg6[%select_n3A_409, %dma_start3A_499, %dma_start3A_500] : memref<2x1664x32xf32, #tpu.memory_space<vmem>> -> memref<1x128x32xf32, #tpu.memory_space<vmem>>
        %dma_start3A_502 = tpu.memref_squeeze %dma_start3A_501 : memref<1x128x32xf32, #tpu.memory_space<vmem>> -> memref<128x32xf32, #tpu.memory_space<vmem>>
        %dma_start3A_503 = arith.constant 0 : i32
        %dma_start3A_504 = tpu.memref_slice %arg5[%add3A_498, %dma_start3A_503] : memref<104x128xi32, #tpu.memory_space<vmem>> -> memref<1x128xi32, #tpu.memory_space<vmem>>
        %dma_start3A_505 = tpu.memref_squeeze %dma_start3A_504 : memref<1x128xi32, #tpu.memory_space<vmem>> -> memref<128xi32, #tpu.memory_space<vmem>>
        %dma_start3A_506 = arith.constant 0 : i32
        %dma_start3A_507 = arith.constant 0 : i32
        %dma_start3A_508 = tpu.memref_slice %arg3[%dma_start3A_506, %dma_start3A_507] : memref<1000000x32xf32, #tpu.memory_space<hbm>> -> memref<1000000x32xf32, #tpu.memory_space<hbm>>
        %dma_start3A_509 = tpu.memref_slice %arg7[%select_n3A_409] : memref<2x!tpu.dma_semaphore, #tpu.memory_space<semaphore_mem>> -> memref<1x!tpu.dma_semaphore, #tpu.memory_space<semaphore_mem>>
        %dma_start3A_510 = tpu.memref_squeeze %dma_start3A_509 : memref<1x!tpu.dma_semaphore, #tpu.memory_space<semaphore_mem>> -> memref<!tpu.dma_semaphore, #tpu.memory_space<semaphore_mem>>
        tpu.enqueue_indirect_dma source(%dma_start3A_508 : memref<1000000x32xf32, #tpu.memory_space<hbm>>) target(%dma_start3A_502 : memref<128x32xf32, #tpu.memory_space<vmem>>) offsets(%dma_start3A_505 : memref<128xi32, #tpu.memory_space<vmem>>) semaphore(%dma_start3A_510 : memref<!tpu.dma_semaphore, #tpu.memory_space<semaphore_mem>>)
        %mul3A_511 = arith.constant 13 : i32
        %mul3A_512 = arith.muli %add3A_462, %mul3A_511 : i32
        %add3A_513 = arith.constant 3 : i32
        %add3A_514 = arith.addi %mul3A_512, %add3A_513 : i32
        %dma_start3A_515 = arith.constant 384 : i32
        %dma_start3A_516 = arith.constant 0 : i32
        %dma_start3A_517 = tpu.memref_slice %arg6[%select_n3A_409, %dma_start3A_515, %dma_start3A_516] : memref<2x1664x32xf32, #tpu.memory_space<vmem>> -> memref<1x128x32xf32, #tpu.memory_space<vmem>>
        %dma_start3A_518 = tpu.memref_squeeze %dma_start3A_517 : memref<1x128x32xf32, #tpu.memory_space<vmem>> -> memref<128x32xf32, #tpu.memory_space<vmem>>
        %dma_start3A_519 = arith.constant 0 : i32
        %dma_start3A_520 = tpu.memref_slice %arg5[%add3A_514, %dma_start3A_519] : memref<104x128xi32, #tpu.memory_space<vmem>> -> memref<1x128xi32, #tpu.memory_space<vmem>>
        %dma_start3A_521 = tpu.memref_squeeze %dma_start3A_520 : memref<1x128xi32, #tpu.memory_space<vmem>> -> memref<128xi32, #tpu.memory_space<vmem>>
        %dma_start3A_522 = arith.constant 0 : i32
        %dma_start3A_523 = arith.constant 0 : i32
        %dma_start3A_524 = tpu.memref_slice %arg3[%dma_start3A_522, %dma_start3A_523] : memref<1000000x32xf32, #tpu.memory_space<hbm>> -> memref<1000000x32xf32, #tpu.memory_space<hbm>>
        %dma_start3A_525 = tpu.memref_slice %arg7[%select_n3A_409] : memref<2x!tpu.dma_semaphore, #tpu.memory_space<semaphore_mem>> -> memref<1x!tpu.dma_semaphore, #tpu.memory_space<semaphore_mem>>
        %dma_start3A_526 = tpu.memref_squeeze %dma_start3A_525 : memref<1x!tpu.dma_semaphore, #tpu.memory_space<semaphore_mem>> -> memref<!tpu.dma_semaphore, #tpu.memory_space<semaphore_mem>>
        tpu.enqueue_indirect_dma source(%dma_start3A_524 : memref<1000000x32xf32, #tpu.memory_space<hbm>>) target(%dma_start3A_518 : memref<128x32xf32, #tpu.memory_space<vmem>>) offsets(%dma_start3A_521 : memref<128xi32, #tpu.memory_space<vmem>>) semaphore(%dma_start3A_526 : memref<!tpu.dma_semaphore, #tpu.memory_space<semaphore_mem>>)
        %mul3A_527 = arith.constant 13 : i32
        %mul3A_528 = arith.muli %add3A_462, %mul3A_527 : i32
        %add3A_529 = arith.constant 4 : i32
        %add3A_530 = arith.addi %mul3A_528, %add3A_529 : i32
        %dma_start3A_531 = arith.constant 512 : i32
        %dma_start3A_532 = arith.constant 0 : i32
        %dma_start3A_533 = tpu.memref_slice %arg6[%select_n3A_409, %dma_start3A_531, %dma_start3A_532] : memref<2x1664x32xf32, #tpu.memory_space<vmem>> -> memref<1x128x32xf32, #tpu.memory_space<vmem>>
        %dma_start3A_534 = tpu.memref_squeeze %dma_start3A_533 : memref<1x128x32xf32, #tpu.memory_space<vmem>> -> memref<128x32xf32, #tpu.memory_space<vmem>>
        %dma_start3A_535 = arith.constant 0 : i32
        %dma_start3A_536 = tpu.memref_slice %arg5[%add3A_530, %dma_start3A_535] : memref<104x128xi32, #tpu.memory_space<vmem>> -> memref<1x128xi32, #tpu.memory_space<vmem>>
        %dma_start3A_537 = tpu.memref_squeeze %dma_start3A_536 : memref<1x128xi32, #tpu.memory_space<vmem>> -> memref<128xi32, #tpu.memory_space<vmem>>
        %dma_start3A_538 = arith.constant 0 : i32
        %dma_start3A_539 = arith.constant 0 : i32
        %dma_start3A_540 = tpu.memref_slice %arg3[%dma_start3A_538, %dma_start3A_539] : memref<1000000x32xf32, #tpu.memory_space<hbm>> -> memref<1000000x32xf32, #tpu.memory_space<hbm>>
        %dma_start3A_541 = tpu.memref_slice %arg7[%select_n3A_409] : memref<2x!tpu.dma_semaphore, #tpu.memory_space<semaphore_mem>> -> memref<1x!tpu.dma_semaphore, #tpu.memory_space<semaphore_mem>>
        %dma_start3A_542 = tpu.memref_squeeze %dma_start3A_541 : memref<1x!tpu.dma_semaphore, #tpu.memory_space<semaphore_mem>> -> memref<!tpu.dma_semaphore, #tpu.memory_space<semaphore_mem>>
        tpu.enqueue_indirect_dma source(%dma_start3A_540 : memref<1000000x32xf32, #tpu.memory_space<hbm>>) target(%dma_start3A_534 : memref<128x32xf32, #tpu.memory_space<vmem>>) offsets(%dma_start3A_537 : memref<128xi32, #tpu.memory_space<vmem>>) semaphore(%dma_start3A_542 : memref<!tpu.dma_semaphore, #tpu.memory_space<semaphore_mem>>)
        %mul3A_543 = arith.constant 13 : i32
        %mul3A_544 = arith.muli %add3A_462, %mul3A_543 : i32
        %add3A_545 = arith.constant 5 : i32
        %add3A_546 = arith.addi %mul3A_544, %add3A_545 : i32
        %dma_start3A_547 = arith.constant 640 : i32
        %dma_start3A_548 = arith.constant 0 : i32
        %dma_start3A_549 = tpu.memref_slice %arg6[%select_n3A_409, %dma_start3A_547, %dma_start3A_548] : memref<2x1664x32xf32, #tpu.memory_space<vmem>> -> memref<1x128x32xf32, #tpu.memory_space<vmem>>
        %dma_start3A_550 = tpu.memref_squeeze %dma_start3A_549 : memref<1x128x32xf32, #tpu.memory_space<vmem>> -> memref<128x32xf32, #tpu.memory_space<vmem>>
        %dma_start3A_551 = arith.constant 0 : i32
        %dma_start3A_552 = tpu.memref_slice %arg5[%add3A_546, %dma_start3A_551] : memref<104x128xi32, #tpu.memory_space<vmem>> -> memref<1x128xi32, #tpu.memory_space<vmem>>
        %dma_start3A_553 = tpu.memref_squeeze %dma_start3A_552 : memref<1x128xi32, #tpu.memory_space<vmem>> -> memref<128xi32, #tpu.memory_space<vmem>>
        %dma_start3A_554 = arith.constant 0 : i32
        %dma_start3A_555 = arith.constant 0 : i32
        %dma_start3A_556 = tpu.memref_slice %arg3[%dma_start3A_554, %dma_start3A_555] : memref<1000000x32xf32, #tpu.memory_space<hbm>> -> memref<1000000x32xf32, #tpu.memory_space<hbm>>
        %dma_start3A_557 = tpu.memref_slice %arg7[%select_n3A_409] : memref<2x!tpu.dma_semaphore, #tpu.memory_space<semaphore_mem>> -> memref<1x!tpu.dma_semaphore, #tpu.memory_space<semaphore_mem>>
        %dma_start3A_558 = tpu.memref_squeeze %dma_start3A_557 : memref<1x!tpu.dma_semaphore, #tpu.memory_space<semaphore_mem>> -> memref<!tpu.dma_semaphore, #tpu.memory_space<semaphore_mem>>
        tpu.enqueue_indirect_dma source(%dma_start3A_556 : memref<1000000x32xf32, #tpu.memory_space<hbm>>) target(%dma_start3A_550 : memref<128x32xf32, #tpu.memory_space<vmem>>) offsets(%dma_start3A_553 : memref<128xi32, #tpu.memory_space<vmem>>) semaphore(%dma_start3A_558 : memref<!tpu.dma_semaphore, #tpu.memory_space<semaphore_mem>>)
        %mul3A_559 = arith.constant 13 : i32
        %mul3A_560 = arith.muli %add3A_462, %mul3A_559 : i32
        %add3A_561 = arith.constant 6 : i32
        %add3A_562 = arith.addi %mul3A_560, %add3A_561 : i32
        %dma_start3A_563 = arith.constant 768 : i32
        %dma_start3A_564 = arith.constant 0 : i32
        %dma_start3A_565 = tpu.memref_slice %arg6[%select_n3A_409, %dma_start3A_563, %dma_start3A_564] : memref<2x1664x32xf32, #tpu.memory_space<vmem>> -> memref<1x128x32xf32, #tpu.memory_space<vmem>>
        %dma_start3A_566 = tpu.memref_squeeze %dma_start3A_565 : memref<1x128x32xf32, #tpu.memory_space<vmem>> -> memref<128x32xf32, #tpu.memory_space<vmem>>
        %dma_start3A_567 = arith.constant 0 : i32
        %dma_start3A_568 = tpu.memref_slice %arg5[%add3A_562, %dma_start3A_567] : memref<104x128xi32, #tpu.memory_space<vmem>> -> memref<1x128xi32, #tpu.memory_space<vmem>>
        %dma_start3A_569 = tpu.memref_squeeze %dma_start3A_568 : memref<1x128xi32, #tpu.memory_space<vmem>> -> memref<128xi32, #tpu.memory_space<vmem>>
        %dma_start3A_570 = arith.constant 0 : i32
        %dma_start3A_571 = arith.constant 0 : i32
        %dma_start3A_572 = tpu.memref_slice %arg3[%dma_start3A_570, %dma_start3A_571] : memref<1000000x32xf32, #tpu.memory_space<hbm>> -> memref<1000000x32xf32, #tpu.memory_space<hbm>>
        %dma_start3A_573 = tpu.memref_slice %arg7[%select_n3A_409] : memref<2x!tpu.dma_semaphore, #tpu.memory_space<semaphore_mem>> -> memref<1x!tpu.dma_semaphore, #tpu.memory_space<semaphore_mem>>
        %dma_start3A_574 = tpu.memref_squeeze %dma_start3A_573 : memref<1x!tpu.dma_semaphore, #tpu.memory_space<semaphore_mem>> -> memref<!tpu.dma_semaphore, #tpu.memory_space<semaphore_mem>>
        tpu.enqueue_indirect_dma source(%dma_start3A_572 : memref<1000000x32xf32, #tpu.memory_space<hbm>>) target(%dma_start3A_566 : memref<128x32xf32, #tpu.memory_space<vmem>>) offsets(%dma_start3A_569 : memref<128xi32, #tpu.memory_space<vmem>>) semaphore(%dma_start3A_574 : memref<!tpu.dma_semaphore, #tpu.memory_space<semaphore_mem>>)
        %mul3A_575 = arith.constant 13 : i32
        %mul3A_576 = arith.muli %add3A_462, %mul3A_575 : i32
        %add3A_577 = arith.constant 7 : i32
        %add3A_578 = arith.addi %mul3A_576, %add3A_577 : i32
        %dma_start3A_579 = arith.constant 896 : i32
        %dma_start3A_580 = arith.constant 0 : i32
        %dma_start3A_581 = tpu.memref_slice %arg6[%select_n3A_409, %dma_start3A_579, %dma_start3A_580] : memref<2x1664x32xf32, #tpu.memory_space<vmem>> -> memref<1x128x32xf32, #tpu.memory_space<vmem>>
        %dma_start3A_582 = tpu.memref_squeeze %dma_start3A_581 : memref<1x128x32xf32, #tpu.memory_space<vmem>> -> memref<128x32xf32, #tpu.memory_space<vmem>>
        %dma_start3A_583 = arith.constant 0 : i32
        %dma_start3A_584 = tpu.memref_slice %arg5[%add3A_578, %dma_start3A_583] : memref<104x128xi32, #tpu.memory_space<vmem>> -> memref<1x128xi32, #tpu.memory_space<vmem>>
        %dma_start3A_585 = tpu.memref_squeeze %dma_start3A_584 : memref<1x128xi32, #tpu.memory_space<vmem>> -> memref<128xi32, #tpu.memory_space<vmem>>
        %dma_start3A_586 = arith.constant 0 : i32
        %dma_start3A_587 = arith.constant 0 : i32
        %dma_start3A_588 = tpu.memref_slice %arg3[%dma_start3A_586, %dma_start3A_587] : memref<1000000x32xf32, #tpu.memory_space<hbm>> -> memref<1000000x32xf32, #tpu.memory_space<hbm>>
        %dma_start3A_589 = tpu.memref_slice %arg7[%select_n3A_409] : memref<2x!tpu.dma_semaphore, #tpu.memory_space<semaphore_mem>> -> memref<1x!tpu.dma_semaphore, #tpu.memory_space<semaphore_mem>>
        %dma_start3A_590 = tpu.memref_squeeze %dma_start3A_589 : memref<1x!tpu.dma_semaphore, #tpu.memory_space<semaphore_mem>> -> memref<!tpu.dma_semaphore, #tpu.memory_space<semaphore_mem>>
        tpu.enqueue_indirect_dma source(%dma_start3A_588 : memref<1000000x32xf32, #tpu.memory_space<hbm>>) target(%dma_start3A_582 : memref<128x32xf32, #tpu.memory_space<vmem>>) offsets(%dma_start3A_585 : memref<128xi32, #tpu.memory_space<vmem>>) semaphore(%dma_start3A_590 : memref<!tpu.dma_semaphore, #tpu.memory_space<semaphore_mem>>)
        %mul3A_591 = arith.constant 13 : i32
        %mul3A_592 = arith.muli %add3A_462, %mul3A_591 : i32
        %add3A_593 = arith.constant 8 : i32
        %add3A_594 = arith.addi %mul3A_592, %add3A_593 : i32
        %dma_start3A_595 = arith.constant 1024 : i32
        %dma_start3A_596 = arith.constant 0 : i32
        %dma_start3A_597 = tpu.memref_slice %arg6[%select_n3A_409, %dma_start3A_595, %dma_start3A_596] : memref<2x1664x32xf32, #tpu.memory_space<vmem>> -> memref<1x128x32xf32, #tpu.memory_space<vmem>>
        %dma_start3A_598 = tpu.memref_squeeze %dma_start3A_597 : memref<1x128x32xf32, #tpu.memory_space<vmem>> -> memref<128x32xf32, #tpu.memory_space<vmem>>
        %dma_start3A_599 = arith.constant 0 : i32
        %dma_start3A_600 = tpu.memref_slice %arg5[%add3A_594, %dma_start3A_599] : memref<104x128xi32, #tpu.memory_space<vmem>> -> memref<1x128xi32, #tpu.memory_space<vmem>>
        %dma_start3A_601 = tpu.memref_squeeze %dma_start3A_600 : memref<1x128xi32, #tpu.memory_space<vmem>> -> memref<128xi32, #tpu.memory_space<vmem>>
        %dma_start3A_602 = arith.constant 0 : i32
        %dma_start3A_603 = arith.constant 0 : i32
        %dma_start3A_604 = tpu.memref_slice %arg3[%dma_start3A_602, %dma_start3A_603] : memref<1000000x32xf32, #tpu.memory_space<hbm>> -> memref<1000000x32xf32, #tpu.memory_space<hbm>>
        %dma_start3A_605 = tpu.memref_slice %arg7[%select_n3A_409] : memref<2x!tpu.dma_semaphore, #tpu.memory_space<semaphore_mem>> -> memref<1x!tpu.dma_semaphore, #tpu.memory_space<semaphore_mem>>
        %dma_start3A_606 = tpu.memref_squeeze %dma_start3A_605 : memref<1x!tpu.dma_semaphore, #tpu.memory_space<semaphore_mem>> -> memref<!tpu.dma_semaphore, #tpu.memory_space<semaphore_mem>>
        tpu.enqueue_indirect_dma source(%dma_start3A_604 : memref<1000000x32xf32, #tpu.memory_space<hbm>>) target(%dma_start3A_598 : memref<128x32xf32, #tpu.memory_space<vmem>>) offsets(%dma_start3A_601 : memref<128xi32, #tpu.memory_space<vmem>>) semaphore(%dma_start3A_606 : memref<!tpu.dma_semaphore, #tpu.memory_space<semaphore_mem>>)
        %mul3A_607 = arith.constant 13 : i32
        %mul3A_608 = arith.muli %add3A_462, %mul3A_607 : i32
        %add3A_609 = arith.constant 9 : i32
        %add3A_610 = arith.addi %mul3A_608, %add3A_609 : i32
        %dma_start3A_611 = arith.constant 1152 : i32
        %dma_start3A_612 = arith.constant 0 : i32
        %dma_start3A_613 = tpu.memref_slice %arg6[%select_n3A_409, %dma_start3A_611, %dma_start3A_612] : memref<2x1664x32xf32, #tpu.memory_space<vmem>> -> memref<1x128x32xf32, #tpu.memory_space<vmem>>
        %dma_start3A_614 = tpu.memref_squeeze %dma_start3A_613 : memref<1x128x32xf32, #tpu.memory_space<vmem>> -> memref<128x32xf32, #tpu.memory_space<vmem>>
        %dma_start3A_615 = arith.constant 0 : i32
        %dma_start3A_616 = tpu.memref_slice %arg5[%add3A_610, %dma_start3A_615] : memref<104x128xi32, #tpu.memory_space<vmem>> -> memref<1x128xi32, #tpu.memory_space<vmem>>
        %dma_start3A_617 = tpu.memref_squeeze %dma_start3A_616 : memref<1x128xi32, #tpu.memory_space<vmem>> -> memref<128xi32, #tpu.memory_space<vmem>>
        %dma_start3A_618 = arith.constant 0 : i32
        %dma_start3A_619 = arith.constant 0 : i32
        %dma_start3A_620 = tpu.memref_slice %arg3[%dma_start3A_618, %dma_start3A_619] : memref<1000000x32xf32, #tpu.memory_space<hbm>> -> memref<1000000x32xf32, #tpu.memory_space<hbm>>
        %dma_start3A_621 = tpu.memref_slice %arg7[%select_n3A_409] : memref<2x!tpu.dma_semaphore, #tpu.memory_space<semaphore_mem>> -> memref<1x!tpu.dma_semaphore, #tpu.memory_space<semaphore_mem>>
        %dma_start3A_622 = tpu.memref_squeeze %dma_start3A_621 : memref<1x!tpu.dma_semaphore, #tpu.memory_space<semaphore_mem>> -> memref<!tpu.dma_semaphore, #tpu.memory_space<semaphore_mem>>
        tpu.enqueue_indirect_dma source(%dma_start3A_620 : memref<1000000x32xf32, #tpu.memory_space<hbm>>) target(%dma_start3A_614 : memref<128x32xf32, #tpu.memory_space<vmem>>) offsets(%dma_start3A_617 : memref<128xi32, #tpu.memory_space<vmem>>) semaphore(%dma_start3A_622 : memref<!tpu.dma_semaphore, #tpu.memory_space<semaphore_mem>>)
        %mul3A_623 = arith.constant 13 : i32
        %mul3A_624 = arith.muli %add3A_462, %mul3A_623 : i32
        %add3A_625 = arith.constant 10 : i32
        %add3A_626 = arith.addi %mul3A_624, %add3A_625 : i32
        %dma_start3A_627 = arith.constant 1280 : i32
        %dma_start3A_628 = arith.constant 0 : i32
        %dma_start3A_629 = tpu.memref_slice %arg6[%select_n3A_409, %dma_start3A_627, %dma_start3A_628] : memref<2x1664x32xf32, #tpu.memory_space<vmem>> -> memref<1x128x32xf32, #tpu.memory_space<vmem>>
        %dma_start3A_630 = tpu.memref_squeeze %dma_start3A_629 : memref<1x128x32xf32, #tpu.memory_space<vmem>> -> memref<128x32xf32, #tpu.memory_space<vmem>>
        %dma_start3A_631 = arith.constant 0 : i32
        %dma_start3A_632 = tpu.memref_slice %arg5[%add3A_626, %dma_start3A_631] : memref<104x128xi32, #tpu.memory_space<vmem>> -> memref<1x128xi32, #tpu.memory_space<vmem>>
        %dma_start3A_633 = tpu.memref_squeeze %dma_start3A_632 : memref<1x128xi32, #tpu.memory_space<vmem>> -> memref<128xi32, #tpu.memory_space<vmem>>
        %dma_start3A_634 = arith.constant 0 : i32
        %dma_start3A_635 = arith.constant 0 : i32
        %dma_start3A_636 = tpu.memref_slice %arg3[%dma_start3A_634, %dma_start3A_635] : memref<1000000x32xf32, #tpu.memory_space<hbm>> -> memref<1000000x32xf32, #tpu.memory_space<hbm>>
        %dma_start3A_637 = tpu.memref_slice %arg7[%select_n3A_409] : memref<2x!tpu.dma_semaphore, #tpu.memory_space<semaphore_mem>> -> memref<1x!tpu.dma_semaphore, #tpu.memory_space<semaphore_mem>>
        %dma_start3A_638 = tpu.memref_squeeze %dma_start3A_637 : memref<1x!tpu.dma_semaphore, #tpu.memory_space<semaphore_mem>> -> memref<!tpu.dma_semaphore, #tpu.memory_space<semaphore_mem>>
        tpu.enqueue_indirect_dma source(%dma_start3A_636 : memref<1000000x32xf32, #tpu.memory_space<hbm>>) target(%dma_start3A_630 : memref<128x32xf32, #tpu.memory_space<vmem>>) offsets(%dma_start3A_633 : memref<128xi32, #tpu.memory_space<vmem>>) semaphore(%dma_start3A_638 : memref<!tpu.dma_semaphore, #tpu.memory_space<semaphore_mem>>)
        %mul3A_639 = arith.constant 13 : i32
        %mul3A_640 = arith.muli %add3A_462, %mul3A_639 : i32
        %add3A_641 = arith.constant 11 : i32
        %add3A_642 = arith.addi %mul3A_640, %add3A_641 : i32
        %dma_start3A_643 = arith.constant 1408 : i32
        %dma_start3A_644 = arith.constant 0 : i32
        %dma_start3A_645 = tpu.memref_slice %arg6[%select_n3A_409, %dma_start3A_643, %dma_start3A_644] : memref<2x1664x32xf32, #tpu.memory_space<vmem>> -> memref<1x128x32xf32, #tpu.memory_space<vmem>>
        %dma_start3A_646 = tpu.memref_squeeze %dma_start3A_645 : memref<1x128x32xf32, #tpu.memory_space<vmem>> -> memref<128x32xf32, #tpu.memory_space<vmem>>
        %dma_start3A_647 = arith.constant 0 : i32
        %dma_start3A_648 = tpu.memref_slice %arg5[%add3A_642, %dma_start3A_647] : memref<104x128xi32, #tpu.memory_space<vmem>> -> memref<1x128xi32, #tpu.memory_space<vmem>>
        %dma_start3A_649 = tpu.memref_squeeze %dma_start3A_648 : memref<1x128xi32, #tpu.memory_space<vmem>> -> memref<128xi32, #tpu.memory_space<vmem>>
        %dma_start3A_650 = arith.constant 0 : i32
        %dma_start3A_651 = arith.constant 0 : i32
        %dma_start3A_652 = tpu.memref_slice %arg3[%dma_start3A_650, %dma_start3A_651] : memref<1000000x32xf32, #tpu.memory_space<hbm>> -> memref<1000000x32xf32, #tpu.memory_space<hbm>>
        %dma_start3A_653 = tpu.memref_slice %arg7[%select_n3A_409] : memref<2x!tpu.dma_semaphore, #tpu.memory_space<semaphore_mem>> -> memref<1x!tpu.dma_semaphore, #tpu.memory_space<semaphore_mem>>
        %dma_start3A_654 = tpu.memref_squeeze %dma_start3A_653 : memref<1x!tpu.dma_semaphore, #tpu.memory_space<semaphore_mem>> -> memref<!tpu.dma_semaphore, #tpu.memory_space<semaphore_mem>>
        tpu.enqueue_indirect_dma source(%dma_start3A_652 : memref<1000000x32xf32, #tpu.memory_space<hbm>>) target(%dma_start3A_646 : memref<128x32xf32, #tpu.memory_space<vmem>>) offsets(%dma_start3A_649 : memref<128xi32, #tpu.memory_space<vmem>>) semaphore(%dma_start3A_654 : memref<!tpu.dma_semaphore, #tpu.memory_space<semaphore_mem>>)
        %mul3A_655 = arith.constant 13 : i32
        %mul3A_656 = arith.muli %add3A_462, %mul3A_655 : i32
        %add3A_657 = arith.constant 12 : i32
        %add3A_658 = arith.addi %mul3A_656, %add3A_657 : i32
        %dma_start3A_659 = arith.constant 1536 : i32
        %dma_start3A_660 = arith.constant 0 : i32
        %dma_start3A_661 = tpu.memref_slice %arg6[%select_n3A_409, %dma_start3A_659, %dma_start3A_660] : memref<2x1664x32xf32, #tpu.memory_space<vmem>> -> memref<1x128x32xf32, #tpu.memory_space<vmem>>
        %dma_start3A_662 = tpu.memref_squeeze %dma_start3A_661 : memref<1x128x32xf32, #tpu.memory_space<vmem>> -> memref<128x32xf32, #tpu.memory_space<vmem>>
        %dma_start3A_663 = arith.constant 0 : i32
        %dma_start3A_664 = tpu.memref_slice %arg5[%add3A_658, %dma_start3A_663] : memref<104x128xi32, #tpu.memory_space<vmem>> -> memref<1x128xi32, #tpu.memory_space<vmem>>
        %dma_start3A_665 = tpu.memref_squeeze %dma_start3A_664 : memref<1x128xi32, #tpu.memory_space<vmem>> -> memref<128xi32, #tpu.memory_space<vmem>>
        %dma_start3A_666 = arith.constant 0 : i32
        %dma_start3A_667 = arith.constant 0 : i32
        %dma_start3A_668 = tpu.memref_slice %arg3[%dma_start3A_666, %dma_start3A_667] : memref<1000000x32xf32, #tpu.memory_space<hbm>> -> memref<1000000x32xf32, #tpu.memory_space<hbm>>
        %dma_start3A_669 = tpu.memref_slice %arg7[%select_n3A_409] : memref<2x!tpu.dma_semaphore, #tpu.memory_space<semaphore_mem>> -> memref<1x!tpu.dma_semaphore, #tpu.memory_space<semaphore_mem>>
        %dma_start3A_670 = tpu.memref_squeeze %dma_start3A_669 : memref<1x!tpu.dma_semaphore, #tpu.memory_space<semaphore_mem>> -> memref<!tpu.dma_semaphore, #tpu.memory_space<semaphore_mem>>
        tpu.enqueue_indirect_dma source(%dma_start3A_668 : memref<1000000x32xf32, #tpu.memory_space<hbm>>) target(%dma_start3A_662 : memref<128x32xf32, #tpu.memory_space<vmem>>) offsets(%dma_start3A_665 : memref<128xi32, #tpu.memory_space<vmem>>) semaphore(%dma_start3A_670 : memref<!tpu.dma_semaphore, #tpu.memory_space<semaphore_mem>>)
      } else {
      }
    }
    %scan3A_395 = arith.constant 8 : i32
    return
  }
}

</mosaic_0001>

<sc_bundles>
// kernel: kernel.3.cloned.1.call-start
scs
__scs_entry_jumppad:
0x0: {  	(pc) =	sbr.rel $0x88, $3  }
0x1: {  	(tag) =	ssettag $0x0;
	lr =	simm.s32 $0x1  }
0x2: {  	[smem:$0x3F9F] =	sst lr;
	_ =	strace $0xD0000000  }
0x3: {  	_ = 	snop  }
0x4: {  	_ = 	snop  }
0x5: {  	_ = 	snop  }
0x6: {  	_ = 	snop  }
0x7: {  	_ = 	snop  }
__scs_overlays_trampoline_lowered:
0x8: {  	[smem:$0x3FAE] =	sst s0  }
0x9: {  	[smem:$0x3FAF] =	sst s1  }
0xa: {  	[smem:$0x3FB0] =	sst s2  }
0xb: {  	[smem:$0x3FB1] =	sst s3  }
0xc: {  	[smem:$0x3FB2] =	sst s4  }
0xd: {  	[smem:$0x3FB3] =	sst s5  }
0xe: {  	[smem:$0x3FB4] =	sst s6  }
0xf: {  	[smem:$0x3FB5] =	sst s7  }
0x10: {  	[smem:$0x3FB6] =	sst s8  }
0x11: {  	[smem:$0x3FB7] =	sst s9;
	s0 =	simm.s32 @!p0 $0x0  }
0x12: {  	s1 =	sld [smem:$0x3F9D];
	s0 =	simm.s32 @p0 $0x1  }
0x13: {  	[smem:$0x3FB8] =	sst s0;
	s0 =	simm.s32 @!p1 $0x0  }
0x14: {  	s2 =	sld [smem:$0x3F9C];
	s0 =	simm.s32 @p1 $0x1  }
0x15: {  	[smem:$0x3FB9] =	sst s0;
	s0 =	simm.s32 @!p2 $0x0  }
0x16: {  	s3 =	sld [smem:$0x3FDB];
	s0 =	simm.s32 @p2 $0x1  }
0x17: {  	s4 =	simm.s32 $0x1BF5;
	[smem:$0x3FBB] =	sst s0  }
0x18: {  	s0 =	sld [smem:$0x3F9E];
	_ =	swait.ge [sflag:s4], $0x0  }
0x19: {  	s7 =	sld [smem:$0x3F9F]  }
0x1a: {  	s8 =	sadd.s32 $0xFFFFE003, lr  }
0x1b: {  	s9 =	sadd.s32 $0xFFFFFEF7, lr;
	s5 =	simm.s32 $0xFFFFFFFF;
	p2 =	slt.u32 s8, $0xFFFFF086  }
0x1c: {  	p1 =	slt.u32 s9, $0xF7A;
	s5 =	simm.s32 @!p2 $0x0  }
0x1d: {  	s5 =	simm.s32 @p1 $0x1;
	p0 =	seq.s32 s7, s2  }
0x1e: {  	s7 =	smul.u32 @!p0 $0xF7A, s2;
	p2 =	seq.s32 @!p0 s5, $0x0  }
0x1f: {  	s9 =	smul.u32 $0xF7A, s1;
	s8 =	simm.s32 @!p0 $0x1BF5;
	p2 =	por !p2, p0  }
0x20: {  	[sflag:s8] =	ssyncset.s32 @!p0 $0xFFFFF086;
	s6 =	sadd.s32 @!p0 s3, s7;
	s7 =	simm.s32 @!p0 $0x108  }
0x21: {  	s3 =	sadd.s32 s3, s9;
	s6 =	sadd.s32 @!p0 $0x88, s6;
	s7 =	simm.s32 @p2 $0x1082  }
0x22: {  	[simem:s7], [sflag:s8] =	dma.local @!p0 [hbm:s6], $0xF7A  }
0x23: {  	s9 =	sor.u32 $0xD0000000, s2;
	s6 =	simm.s32 $0x108;
	_ =	swait.ge @!p0 [sflag:s8], $0x0  }
0x24: {  	s3 =	sadd.s32 $0x88, s3;
	s6 =	simm.s32 @!p1 $0x1082;
	[sflag:s4] =	ssyncset.s32 $0xFFFFF086  }
0x25: {  	[simem:s6], [sflag:s4] =	dma.local [hbm:s3], $0xF7A  }
0x26: {  	[smem:$0x3F9F] =	sst s1;
	(tag) =	ssettag s2;
	_ =	strace s9  }
0x27: {  	s1 =	sld [smem:$0x3FAF]  }
0x28: {  	s2 =	sld [smem:$0x3FB0]  }
0x29: {  	s4 =	sld [smem:$0x3FB2]  }
0x2a: {  	p0 =	seq.s32 s5, $0x0;
	s5 =	sld [smem:$0x3FB3]  }
0x2b: {  	s6 =	sld [smem:$0x3FB4]  }
0x2c: {  	s7 =	sld [smem:$0x3FB5]  }
0x2d: {  	s3 =	simm.s32 $0x108;
	s8 =	sld [smem:$0x3FB6]  }
0x2e: {  	s3 =	simm.s32 @!p0 $0x1082;
	s9 =	sld [smem:$0x3FB7]  }
0x2f: {  	lr =	sadd.s32 s0, s3;
	s0 =	sld [smem:$0x3FAE]  }
0x30: {  	s3 =	sld [smem:$0x3FB1]  }
0x31: {  	[smem:$0x3FBA] =	sst s10  }
0x32: {  	s10 =	sld [smem:$0x3FB8];
	_ =	sdelay $0x3  }
0x33: {  	p0 =	seq.s32 s10, $0x1;
	s10 =	sld [smem:$0x3FBA];
	_ =	sdelay $0x3  }
0x34: {  	[smem:$0x3FBA] =	sst s10  }
0x35: {  	s10 =	sld [smem:$0x3FB9];
	_ =	sdelay $0x3  }
0x36: {  	p1 =	seq.s32 s10, $0x1;
	s10 =	sld [smem:$0x3FBA];
	_ =	sdelay $0x3  }
0x37: {  	[smem:$0x3FBA] =	sst s10  }
0x38: {  	s10 =	sld [smem:$0x3FBB]  }
0x39: {  	_ = 	snop;
	(pc) =	sbr.ind lr, $3  }
0x3a: {  	_ = 	snop  }
0x3b: {  	_ = 	snop  }
0x3c: {  	p2 =	seq.s32 s10, $0x1;
	s10 =	sld [smem:$0x3FBA]  }
0x3d: {  	_ =	shalt  }
0x3e: {  	_ =	shalt  }
0x3f: {  	_ =	shalt  }
0x40: {  	_ =	shalt  }
0x41: {  	_ =	shalt  }
0x42: {  	_ =	shalt  }
0x43: {  	_ =	shalt  }
0x44: {  	_ =	shalt  }
0x45: {  	_ =	shalt  }
0x46: {  	_ =	shalt  }
0x47: {  	_ =	shalt  }
0x48: {  	_ =	shalt  }
0x49: {  	_ =	shalt  }
0x4a: {  	_ =	shalt  }
0x4b: {  	_ =	shalt  }
0x4c: {  	_ =	shalt  }
0x4d: {  	_ =	shalt  }
0x4e: {  	_ =	shalt  }
0x4f: {  	_ =	shalt  }
0x50: {  	_ =	shalt  }
0x51: {  	_ =	shalt  }
0x52: {  	_ =	shalt  }
0x53: {  	_ =	shalt  }
0x54: {  	_ =	shalt  }
0x55: {  	_ =	shalt  }
0x56: {  	_ =	shalt  }
0x57: {  	_ =	shalt  }
0x58: {  	_ =	shalt  }
0x59: {  	_ =	shalt  }
0x5a: {  	_ =	shalt  }
0x5b: {  	_ =	shalt  }
0x5c: {  	_ =	shalt  }
0x5d: {  	_ =	shalt  }
0x5e: {  	_ =	shalt  }
0x5f: {  	_ =	shalt  }
0x60: {  	_ =	shalt  }
0x61: {  	_ =	shalt  }
0x62: {  	_ =	shalt  }
0x63: {  	_ =	shalt  }
0x64: {  	_ =	shalt  }
0x65: {  	_ =	shalt  }
0x66: {  	_ =	shalt  }
0x67: {  	_ =	shalt  }
0x68: {  	_ =	shalt  }
0x69: {  	_ =	shalt  }
0x6a: {  	_ =	shalt  }
0x6b: {  	_ =	shalt  }
0x6c: {  	_ =	shalt  }
0x6d: {  	_ =	shalt  }
0x6e: {  	_ =	shalt  }
0x6f: {  	_ =	shalt  }
0x70: {  	_ =	shalt  }
0x71: {  	_ =	shalt  }
0x72: {  	_ =	shalt  }
0x73: {  	_ =	shalt  }
0x74: {  	_ =	shalt  }
0x75: {  	_ =	shalt  }
0x76: {  	_ =	shalt  }
0x77: {  	_ =	shalt  }
0x78: {  	_ =	shalt  }
0x79: {  	_ =	shalt  }
0x7a: {  	_ =	shalt  }
0x7b: {  	_ =	shalt  }
0x7c: {  	_ =	shalt  }
0x7d: {  	_ =	shalt  }
0x7e: {  	_ =	shalt  }
0x7f: {  	_ =	shalt  }
0x80: {  	_ =	shalt  }
0x81: {  	_ =	shalt  }
0x82: {  	_ =	shalt  }
0x83: {  	_ =	shalt  }
0x84: {  	_ =	shalt  }
0x85: {  	_ =	shalt  }
0x86: {  	_ =	shalt  }
0x87: {  	_ =	shalt  }
.Lfunc_end0:
.L_simem_size_0:
called_computation.1_lowered:
.L_overlay_start_0:
0x88: {  	s2 =	sld [smem:$0x3FD9]  }
0x89: {  	s3 =	sld [smem:$0x3FFE];
	_ =	sdelay $0x1  }
0x8a: {  	s1 =	srdreg.scid  }
0x8b: {  	s0 =	sand.u32 $0x1, s1  }
0x8c: {  	s17 =	sshll.u32 s0, $0xA;
	s2 =	sadd.s32 s3, s2  }
0x8d: {  	s2 =	sadd.s32 s2, s17  }
0x8e: {  	[smem:$0x3FC6] =	sst s2  }
0x8f: {  	_ = 	snop  }
0x90: {  	s2 =	sld [smem:$0x3FD0];
	(tm) =	ssettm $0x1  }
0x91: {  	s18 =	sld [smem:$0x3FFB];
	_ =	sdelay $0x3  }
0x92: {  	_ =	strace s18  }
0x93: {  	s3 =	sld [smem:$0x3FFC];
	_ =	sdelay $0x3  }
0x94: {  	_ =	strace s3  }
0x95: {  	s3 =	sld [smem:$0x3FFD];
	_ =	sdelay $0x3  }
0x96: {  	_ =	strace s3  }
0x97: {  	_ =	strace $0x8FFFFFFF  }
0x98: {  	s19 =	sld [smem:$0x3FDB];
	_ =	sdelay $0x1  }
0x99: {  	s4 =	simm.s32 $_scs_section_size  }
0x9a: {  	s5 =	simm.s32 $_size__tile_overlayer_lowered;
	s6 =	simm.s32 $_tile_overlayer_lowered  }
0x9b: {  	s22 =	simm.s32 $0x1BFF;
	s21 =	sshll.u32 s6, $0x1;
	s3 =	sadd.s32 s4, s19  }
0x9c: {  	s7 =	simm.s32 $0x0;
	s20 =	sshll.u32 s5, $0x1;
	s5 =	sadd.s32 s21, s3  }
0x9d: {  	[timem:s7], [sflag:s22] =	dma.local [hbm:s5], s20  }
0x9e: {  	_ =	swait.ge [sflag:s22], s20  }
0x9f: {  	s4 =	ssub.s32 $0x0, s20;
	[sflag:s22] =	ssyncset.done $0x0  }
0xa0: {  	[sflag:s22] =	ssyncadd.s32 s4;
	_ =	sdelay $0x1  }
0xa1: {  	s23 =	simm.s32 $0x1B8B  }
0xa2: {  	_ =	swait.ge [sflag:s23], $0x1  }
0xa3: {  	[sflag:s23] =	ssyncset.done $0x0  }
0xa4: {  	s25 =	simm.s32 $0x1B8E;
	s24 =	sld [smem:$0x3FFE];
	[sflag:s23] =	ssyncadd.s32 $0xFFFFFFFF  }
0xa5: {  	s26 =	simm.s32 $execute0_lowered;
	[smem:$0x3FD2] =	sst s25  }
0xa6: {  	s5 =	sshll.u32 s26, $0x1;
	_ =	strace $0x80000046;
	[dreg:$0x1] =	wrdreg $0xFFFFFFFF  }
0xa7: {  	s28 =	simm.s32 $_size_execute0_lowered;
	s3 =	sadd.s32 s3, s5;
	[dreg:$0x0] =	wrdreg $0x0  }
0xa8: {  	s5 =	sshll.u32 s28, $0x1;
	[dreg:$0x2] =	wrdreg s3  }
0xa9: {  	[dreg:$0x3] =	wrdreg s5  }
0xaa: {  	[dreg:$0x4] =	wrdreg $0xC0  }
0xab: {  	_ =	task [dreg:s7], $0x5FFFF  }
0xac: {  	[dreg:$0x1] =	wrdreg $0xFFFFFFFF  }
0xad: {  	[dreg:$0x0] =	wrdreg $0x60  }
0xae: {  	[dreg:$0x2] =	wrdreg s24  }
0xaf: {  	[dreg:$0x3] =	wrdreg s2  }
0xb0: {  	[dreg:$0x4] =	wrdreg $0x9  }
0xb1: {  	_ =	task.clear_ibuf [dreg:s7], $0x5FFFF;
	_ =	strace $0x90000046  }
0xb2: {  	s29 =	simm.s32 $0x9;
	_ =	strace $0x80000048  }
0xb3: {  	_ =	swait.ge [sflag:s29], $0x1  }
0xb4: {  	[sflag:s29] =	ssyncadd.s32 $0xFFFFFFFF  }
0xb5: {  	_ =	strace $0x90000048  }
0xb6: {  	_ =	sfence  }
0xb7: {  	s30 =	sld [smem:$0x0];
	_ =	sdelay $0x2  }
0xb8: {  	s31 =	sshll.u32 s1, $0xD;
	s1 =	sshrl.u32 s1, $0x2  }
0xb9: {  	s3 =	sand.u32 $0x4000, s31;
	s1 =	sadd.s32 s1, s30  }
0xba: {  	s0 =	sor.u32 s3, s0;
	s1 =	sshll.u32 s1, $0x11  }
0xbb: {  	s0 =	sor.u32 s1, s0  }
0xbc: {  	s0 =	sadd.s32 $0x8F2B, s0  }
0xbd: {  	[sflag:s0] =	ssyncadd.remote.s32 $0x1  }
0xbe: {  	_ =	sfence.sel $0xFFFF  }
0xbf: {  	[dreg:$0x0] =	wrdreg $0xFFFFFFFF;
	(pc) =	sbr.abs _section_cstart, $3  }
0xc0: {  	[dreg:$0x1] =	wrdreg $0xFFFFFFFF  }
0xc1: {  	_ =	task.clear_ibuf [dreg:s7], $0x2FFFF;
	_ =	strace $0x9FFFFFFF  }
0xc2: {  	(tm) =	ssettm $0x7FFFFFFF  }
0xc3: {  	_ =	shalt  }
tec
execute0_lowered:
.L_overlay_start_1:
0x0: {  	(tag) =	ssettag $0x1  }
0x1: {  	s0 =	rddreg [dreg:$0x0]  }
0x2: {  	s1 =	srdreg.scid;
	s6 =	stileid.u32  }
0x3: {  	s4 =	rddreg [dreg:$0x1];
	s2 =	simm.s32 $0x0;
	s31 =	simm.s32 $0x1B400  }
0x4: {  	s1 =	sand.u32 $0x1, s1;
	s3 =	sshll.u32 s6, $0x1;
	[smem:$0x7FF] =	sst s2  }
0x5: {  	s6 =	smul.u32 $0x1A000, s6;
	s3 =	sor.u32 s1, s3;
	s5 =	ssub.s32 $0x2, s1  }
0x6: {  	_ =	strace $0x80000047;
	s1 =	smul.u32 $0xD000, s1;
	s8 =	sshrl.u32 s5, $0x1  }
0x7: {  	s3 =	smul.u32 $0x3400, s3;
	s6 =	sadd.s32 s6, s4;
	s29 =	ssub.s32 s5, s8  }
0x8: {  	s30 =	sadd.s32 s1, s6;
	s6 =	simm.s32 $0x5;
	s1 =	simm.s32 $0xC80  }
0x9: {  	s8 =	simm.s32 $0x0;
	s3 =	sshrl.u32 s3, $0x3;
	s5 =	smax.u32 s29, $0x1  }
0xa: {  	[dreg:$0x3] =	wrdreg s30;
	s7 =	sadd.s32 s3, s0;
	s3 =	sadd.s32 $0xF42E00, s0  }
0xb: {  	s0 =	simm.s32 $0x1C400;
	s4 =	sadd.s32 $0xA00, s7;
	s7 =	simm.s32 $0x80  }
.LBB2_1:
0xc: {  	[tilespmem:s2], [sflag:$0x5] =	stream.linear.gather [hbm4b:s4+s2], $0x3400, $0x38;
	[tilespmem:$0x1D400] =	vst v63  }
0xd: {  	_ =	swait.ge [sflag:s6], $0x3400  }
0xe: {  	[sflag:s6] =	ssyncset.done $0x0  }
0xf: {  	s9 =	simm.s32 $0x3400;
	[sflag:s6] =	ssyncadd.s32 $0xFFFFCC00  }
0x10: {  	[tilespmem:s9], [sflag:$0x1] =	stream.indirect.gather [hbm4b:s3+s7], $0x20, s2, s7, $0xb8;
	[tilespmem:$0x1D400] =	vst v63  }
0x11: {  	s22 =	simm.s32 $0x4400  }
0x12: {  	[tilespmem:s22], [sflag:$0x1] =	stream.indirect.gather [hbm4b:s3+s7], $0x20, s7, s7, $0xb8;
	[tilespmem:$0x1D400] =	vst v63  }
0x13: {  	s23 =	simm.s32 $0x100;
	s10 =	simm.s32 $0x5400  }
0x14: {  	[tilespmem:s10], [sflag:$0x1] =	stream.indirect.gather [hbm4b:s3+s7], $0x20, s23, s7, $0xb8;
	[tilespmem:$0x1D400] =	vst v63  }
0x15: {  	s24 =	simm.s32 $0x180;
	s25 =	simm.s32 $0x6400  }
0x16: {  	[tilespmem:s25], [sflag:$0x1] =	stream.indirect.gather [hbm4b:s3+s7], $0x20, s24, s7, $0xb8;
	[tilespmem:$0x1D400] =	vst v63  }
0x17: {  	s26 =	simm.s32 $0x200;
	s28 =	simm.s32 $0x7400  }
0x18: {  	[tilespmem:s28], [sflag:$0x1] =	stream.indirect.gather [hbm4b:s3+s7], $0x20, s26, s7, $0xb8;
	[tilespmem:$0x1D400] =	vst v63  }
0x19: {  	s29 =	simm.s32 $0x280;
	s30 =	simm.s32 $0x8400  }
0x1a: {  	[tilespmem:s30], [sflag:$0x1] =	stream.indirect.gather [hbm4b:s3+s7], $0x20, s29, s7, $0xb8;
	[tilespmem:$0x1D400] =	vst v63  }
0x1b: {  	s11 =	simm.s32 $0x9400;
	s10 =	simm.s32 $0x300  }
0x1c: {  	[tilespmem:s11], [sflag:$0x1] =	stream.indirect.gather [hbm4b:s3+s7], $0x20, s10, s7, $0xb8;
	[tilespmem:$0x1D400] =	vst v63  }
0x1d: {  	s12 =	simm.s32 $0x380;
	s13 =	simm.s32 $0xA400  }
0x1e: {  	[tilespmem:s13], [sflag:$0x1] =	stream.indirect.gather [hbm4b:s3+s7], $0x20, s12, s7, $0xb8;
	[tilespmem:$0x1D400] =	vst v63  }
0x1f: {  	s14 =	simm.s32 $0x400;
	s15 =	simm.s32 $0xB400  }
0x20: {  	[tilespmem:s15], [sflag:$0x1] =	stream.indirect.gather [hbm4b:s3+s7], $0x20, s14, s7, $0xb8;
	[tilespmem:$0x1D400] =	vst v63  }
0x21: {  	s16 =	simm.s32 $0x480;
	s17 =	simm.s32 $0xC400  }
0x22: {  	[tilespmem:s17], [sflag:$0x1] =	stream.indirect.gather [hbm4b:s3+s7], $0x20, s16, s7, $0xb8;
	[tilespmem:$0x1D400] =	vst v63  }
0x23: {  	s18 =	simm.s32 $0x500;
	s19 =	simm.s32 $0xD400  }
0x24: {  	[tilespmem:s19], [sflag:$0x1] =	stream.indirect.gather [hbm4b:s3+s7], $0x20, s18, s7, $0xb8;
	[tilespmem:$0x1D400] =	vst v63  }
0x25: {  	s20 =	simm.s32 $0x580;
	s21 =	simm.s32 $0xE400  }
0x26: {  	[tilespmem:s21], [sflag:$0x1] =	stream.indirect.gather [hbm4b:s3+s7], $0x20, s20, s7, $0xb8;
	[tilespmem:$0x1D400] =	vst v63  }
0x27: {  	s22 =	simm.s32 $0x600;
	s23 =	simm.s32 $0xF400  }
0x28: {  	[tilespmem:s23], [sflag:$0x1] =	stream.indirect.gather [hbm4b:s3+s7], $0x20, s22, s7, $0xb8;
	[tilespmem:$0x1D400] =	vst v63  }
0x29: {  	s24 =	simm.s32 $0x680;
	s25 =	simm.s32 $0x10400  }
0x2a: {  	[tilespmem:s25], [sflag:$0x2] =	stream.indirect.gather [hbm4b:s3+s7], $0x20, s24, s7, $0xb8;
	[tilespmem:$0x1D400] =	vst v63  }
0x2b: {  	s26 =	simm.s32 $0x700;
	s28 =	simm.s32 $0x11400  }
0x2c: {  	[tilespmem:s28], [sflag:$0x2] =	stream.indirect.gather [hbm4b:s3+s7], $0x20, s26, s7, $0xb8;
	[tilespmem:$0x1D400] =	vst v63  }
0x2d: {  	s29 =	simm.s32 $0x780;
	s30 =	simm.s32 $0x12400  }
0x2e: {  	[tilespmem:s30], [sflag:$0x2] =	stream.indirect.gather [hbm4b:s3+s7], $0x20, s29, s7, $0xb8;
	[tilespmem:$0x1D400] =	vst v63  }
0x2f: {  	s11 =	simm.s32 $0x800;
	s12 =	simm.s32 $0x13400  }
0x30: {  	[tilespmem:s12], [sflag:$0x2] =	stream.indirect.gather [hbm4b:s3+s7], $0x20, s11, s7, $0xb8;
	[tilespmem:$0x1D400] =	vst v63  }
0x31: {  	s13 =	simm.s32 $0x880;
	s14 =	simm.s32 $0x14400  }
0x32: {  	[tilespmem:s14], [sflag:$0x2] =	stream.indirect.gather [hbm4b:s3+s7], $0x20, s13, s7, $0xb8;
	[tilespmem:$0x1D400] =	vst v63  }
0x33: {  	s15 =	simm.s32 $0x900;
	s16 =	simm.s32 $0x15400  }
0x34: {  	[tilespmem:s16], [sflag:$0x2] =	stream.indirect.gather [hbm4b:s3+s7], $0x20, s15, s7, $0xb8;
	[tilespmem:$0x1D400] =	vst v63  }
0x35: {  	s17 =	simm.s32 $0x980;
	s18 =	simm.s32 $0x16400  }
0x36: {  	[tilespmem:s18], [sflag:$0x2] =	stream.indirect.gather [hbm4b:s3+s7], $0x20, s17, s7, $0xb8;
	[tilespmem:$0x1D400] =	vst v63  }
0x37: {  	s19 =	simm.s32 $0xA00;
	s20 =	simm.s32 $0x17400  }
0x38: {  	[tilespmem:s20], [sflag:$0x2] =	stream.indirect.gather [hbm4b:s3+s7], $0x20, s19, s7, $0xb8;
	[tilespmem:$0x1D400] =	vst v63  }
0x39: {  	s21 =	simm.s32 $0xA80;
	s22 =	simm.s32 $0x18400  }
0x3a: {  	[tilespmem:s22], [sflag:$0x2] =	stream.indirect.gather [hbm4b:s3+s7], $0x20, s21, s7, $0xb8;
	[tilespmem:$0x1D400] =	vst v63  }
0x3b: {  	s23 =	simm.s32 $0xB00;
	s24 =	simm.s32 $0x19400  }
0x3c: {  	[tilespmem:s24], [sflag:$0x2] =	stream.indirect.gather [hbm4b:s3+s7], $0x20, s23, s7, $0xb8;
	[tilespmem:$0x1D400] =	vst v63  }
0x3d: {  	s25 =	simm.s32 $0xB80;
	s26 =	simm.s32 $0x1A400  }
0x3e: {  	[tilespmem:s26], [sflag:$0x2] =	stream.indirect.gather [hbm4b:s3+s7], $0x20, s25, s7, $0xb8;
	[tilespmem:$0x1D400] =	vst v63  }
0x3f: {  	s28 =	simm.s32 $0xC00;
	s29 =	sand.u32 $0x1, s2  }
0x40: {  	[tilespmem:s31], [sflag:$0x2] =	stream.indirect.gather [hbm4b:s3+s7], $0x20, s28, s7, $0xb8;
	[tilespmem:$0x1D400] =	vst v63  }
0x41: {  	s9 =	sadd.s32 $0x1, s29;
	s11 =	smul.u32 $0x34000, s29  }
0x42: {  	[tilespmem:s0], [sflag:$0x2] =	stream.indirect.gather [hbm4b:s3+s7], $0x20, s1, s7, $0xb8;
	[tilespmem:$0x1D400] =	vst v63  }
0x43: {  	s10 =	sadd.s32 $0x3, s29;
	_ =	swait.ge [sflag:s9], $0xD000  }
0x44: {  	s14 =	sshrl.u32 s11, $0x2;
	s12 =	rddreg [dreg:$0x3];
	[sflag:s9] =	ssyncset.done $0x0  }
0x45: {  	s11 =	sadd.s32 $0x3400, s14;
	[sflag:s9] =	ssyncadd.s32 $0xFFFF3000;
	s12 =	sadd.s32 $0x0, s12  }
0x46: {  	[hbm4b:s12+s2] =	stream.linear.scatter [tilespmem:s11], [sflag:s10], $0xD000, $0x38;
	[tilespmem:$0x1D400] =	vst v63  }
0x47: {  	_ =	swait.ge [sflag:s10], $0xD000  }
0x48: {  	p0 =	por $0x0, $0x0;
	[sflag:s10] =	ssyncset.done $0x0  }
0x49: {  	s12 =	simm.s32 @!p0 $0x80;
	[sflag:s10] =	ssyncadd.s32 $0xFFFF3000;
	s10 =	simm.s32 @!p0 $0xD00  }
0x4a: {  	[tilespmem:s11], [sflag:s9] =	stream.indirect.gather @!p0 [hbm4b:s3+s12], $0x20, s10, s12, $0xb8;
	[tilespmem:$0x1D400] =	vst v63  }
0x4b: {  	s10 =	sadd.s32 @!p0 $0x4400, s14;
	s11 =	simm.s32 @!p0 $0xD80  }
0x4c: {  	[tilespmem:s10], [sflag:s9] =	stream.indirect.gather @!p0 [hbm4b:s3+s12], $0x20, s11, s12, $0xb8;
	[tilespmem:$0x1D400] =	vst v63  }
0x4d: {  	s10 =	sadd.s32 @!p0 $0x5400, s14;
	s11 =	simm.s32 @!p0 $0xE00  }
0x4e: {  	[tilespmem:s10], [sflag:s9] =	stream.indirect.gather @!p0 [hbm4b:s3+s12], $0x20, s11, s12, $0xb8;
	[tilespmem:$0x1D400] =	vst v63  }
0x4f: {  	s10 =	sadd.s32 @!p0 $0x6400, s14;
	s11 =	simm.s32 @!p0 $0xE80  }
0x50: {  	[tilespmem:s10], [sflag:s9] =	stream.indirect.gather @!p0 [hbm4b:s3+s12], $0x20, s11, s12, $0xb8;
	[tilespmem:$0x1D400] =	vst v63  }
0x51: {  	s10 =	sadd.s32 @!p0 $0x7400, s14;
	s11 =	simm.s32 @!p0 $0xF00  }
0x52: {  	[tilespmem:s10], [sflag:s9] =	stream.indirect.gather @!p0 [hbm4b:s3+s12], $0x20, s11, s12, $0xb8;
	[tilespmem:$0x1D400] =	vst v63  }
0x53: {  	s10 =	sadd.s32 @!p0 $0x8400, s14;
	s11 =	simm.s32 @!p0 $0xF80  }
0x54: {  	[tilespmem:s10], [sflag:s9] =	stream.indirect.gather @!p0 [hbm4b:s3+s12], $0x20, s11, s12, $0xb8;
	[tilespmem:$0x1D400] =	vst v63  }
0x55: {  	s13 =	sadd.s32 @!p0 $0xD400, s14;
	s10 =	sadd.s32 @!p0 $0x9400, s14;
	s11 =	simm.s32 @!p0 $0x1000  }
0x56: {  	[tilespmem:s10], [sflag:s9] =	stream.indirect.gather @!p0 [hbm4b:s3+s12], $0x20, s11, s12, $0xb8;
	[tilespmem:$0x1D400] =	vst v63  }
0x57: {  	s15 =	simm.s32 @!p0 $0x1280;
	s10 =	sadd.s32 @!p0 $0xA400, s14;
	s11 =	simm.s32 @!p0 $0x1080  }
0x58: {  	[tilespmem:s10], [sflag:s9] =	stream.indirect.gather @!p0 [hbm4b:s3+s12], $0x20, s11, s12, $0xb8;
	[tilespmem:$0x1D400] =	vst v63  }
0x59: {  	s17 =	simm.s32 $0x1;
	s10 =	sadd.s32 @!p0 $0xB400, s14;
	s11 =	simm.s32 @!p0 $0x1100  }
0x5a: {  	[tilespmem:s10], [sflag:s9] =	stream.indirect.gather @!p0 [hbm4b:s3+s12], $0x20, s11, s12, $0xb8;
	[tilespmem:$0x1D400] =	vst v63  }
0x5b: {  	s18 =	simm.s32 $0x1A00;
	s10 =	sadd.s32 @!p0 $0xC400, s14;
	s11 =	simm.s32 @!p0 $0x1180  }
0x5c: {  	[tilespmem:s10], [sflag:s9] =	stream.indirect.gather @!p0 [hbm4b:s3+s12], $0x20, s11, s12, $0xb8;
	[tilespmem:$0x1D400] =	vst v63  }
0x5d: {  	s19 =	sadd.s32 @!p0 $0xF400, s14;
	s11 =	sand.u32 $0x1, s17;
	s10 =	simm.s32 @!p0 $0x1200  }
0x5e: {  	[tilespmem:s13], [sflag:s9] =	stream.indirect.gather @!p0 [hbm4b:s3+s12], $0x20, s10, s12, $0xb8;
	[tilespmem:$0x1D400] =	vst v63  }
0x5f: {  	s20 =	simm.s32 @!p0 $0x1300;
	s30 =	smul.u32 $0x34000, s11;
	s13 =	sadd.s32 @!p0 $0xE400, s14  }
0x60: {  	[tilespmem:s13], [sflag:s9] =	stream.indirect.gather @!p0 [hbm4b:s3+s12], $0x20, s15, s12, $0xb8;
	[tilespmem:$0x1D400] =	vst v63  }
0x61: {  	s14 =	simm.s32 $0x2;
	s10 =	sshrl.u32 s30, $0x2;
	s13 =	simm.s32 $0x3400  }
.LBB2_2:
0x62: {  	[tilespmem:s19], [sflag:s9] =	stream.indirect.gather @!p0 [hbm4b:s3+s12], $0x20, s20, s12, $0xb8;
	[tilespmem:$0x1D400] =	vst v63  }
0x63: {  	s9 =	sadd.s32 $0x1, s11  }
0x64: {  	_ =	swait.ge [sflag:s9], $0xD000  }
0x65: {  	s20 =	sadd.s32 $0x3400, s10;
	[sflag:s9] =	ssyncset.done $0x0;
	s29 =	rddreg [dreg:$0x3]  }
0x66: {  	s21 =	sadd.s32 $0x3, s11;
	[sflag:s9] =	ssyncadd.s32 $0xFFFF3000;
	s30 =	sadd.s32 s18, s29  }
0x67: {  	[hbm4b:s30+s2] =	stream.linear.scatter [tilespmem:s20], [sflag:s21], $0xD000, $0x38;
	[tilespmem:$0x1D400] =	vst v63  }
0x68: {  	p0 =	sgt.u32 s17, $0x5;
	_ =	swait.ge [sflag:s21], $0xD000  }
0x69: {  	s17 =	sshra.s32 @!p0 s18, $0x2;
	[sflag:s21] =	ssyncset.done $0x0  }
0x6a: {  	s12 =	simm.s32 @!p0 $0x80;
	s19 =	sadd.s32 @!p0 $0xD00, s17;
	[sflag:s21] =	ssyncadd.s32 $0xFFFF3000  }
0x6b: {  	[tilespmem:s20], [sflag:s9] =	stream.indirect.gather @!p0 [hbm4b:s3+s12], $0x20, s19, s12, $0xb8;
	[tilespmem:$0x1D400] =	vst v63  }
0x6c: {  	s15 =	smov.u32 s13;
	s19 =	sadd.s32 @!p0 $0x4400, s10;
	s20 =	sadd.s32 @!p0 $0xD80, s17  }
0x6d: {  	[tilespmem:s19], [sflag:s9] =	stream.indirect.gather @!p0 [hbm4b:s3+s12], $0x20, s20, s12, $0xb8;
	[tilespmem:$0x1D400] =	vst v63  }
0x6e: {  	s28 =	sand.u32 $0x1, s14;
	s18 =	sadd.s32 @!p0 $0x5400, s10;
	s21 =	sadd.s32 @!p0 $0xE00, s17  }
0x6f: {  	[tilespmem:s18], [sflag:s9] =	stream.indirect.gather @!p0 [hbm4b:s3+s12], $0x20, s21, s12, $0xb8;
	[tilespmem:$0x1D400] =	vst v63  }
0x70: {  	s13 =	sadd.s32 $0x1A00, s13;
	s19 =	sadd.s32 @!p0 $0x6400, s10;
	s20 =	sadd.s32 @!p0 $0xE80, s17  }
0x71: {  	[tilespmem:s19], [sflag:s9] =	stream.indirect.gather @!p0 [hbm4b:s3+s12], $0x20, s20, s12, $0xb8;
	[tilespmem:$0x1D400] =	vst v63  }
0x72: {  	s16 =	smul.u32 $0x34000, s28;
	s22 =	sadd.s32 @!p0 $0x7400, s10;
	s18 =	sadd.s32 @!p0 $0xF00, s17  }
0x73: {  	[tilespmem:s22], [sflag:s9] =	stream.indirect.gather @!p0 [hbm4b:s3+s12], $0x20, s18, s12, $0xb8;
	[tilespmem:$0x1D400] =	vst v63  }
0x74: {  	p1 =	sne.s32 s13, $0xD000;
	s23 =	sadd.s32 @!p0 $0xF80, s17;
	s21 =	sadd.s32 @!p0 $0x8400, s10  }
0x75: {  	[tilespmem:s21], [sflag:s9] =	stream.indirect.gather @!p0 [hbm4b:s3+s12], $0x20, s23, s12, $0xb8;
	[tilespmem:$0x1D400] =	vst v63  }
0x76: {  	s11 =	smov.u32 s28;
	s19 =	sadd.s32 @!p0 $0x9400, s10;
	s20 =	sadd.s32 @!p0 $0x1000, s17  }
0x77: {  	[tilespmem:s19], [sflag:s9] =	stream.indirect.gather @!p0 [hbm4b:s3+s12], $0x20, s20, s12, $0xb8;
	[tilespmem:$0x1D400] =	vst v63  }
0x78: {  	s24 =	sadd.s32 @!p0 $0xA400, s10;
	s28 =	sadd.s32 @!p0 $0xD400, s10;
	s18 =	sadd.s32 @!p0 $0x1080, s17  }
0x79: {  	[tilespmem:s24], [sflag:s9] =	stream.indirect.gather @!p0 [hbm4b:s3+s12], $0x20, s18, s12, $0xb8;
	[tilespmem:$0x1D400] =	vst v63  }
0x7a: {  	s25 =	sadd.s32 @!p0 $0x1100, s17;
	s26 =	sadd.s32 @!p0 $0x1200, s17;
	s22 =	sadd.s32 @!p0 $0xB400, s10  }
0x7b: {  	[tilespmem:s22], [sflag:s9] =	stream.indirect.gather @!p0 [hbm4b:s3+s12], $0x20, s25, s12, $0xb8;
	[tilespmem:$0x1D400] =	vst v63  }
0x7c: {  	s16 =	sshrl.u32 s16, $0x2;
	s21 =	sadd.s32 @!p0 $0xC400, s10;
	s23 =	sadd.s32 @!p0 $0x1180, s17  }
0x7d: {  	[tilespmem:s21], [sflag:s9] =	stream.indirect.gather @!p0 [hbm4b:s3+s12], $0x20, s23, s12, $0xb8;
	[tilespmem:$0x1D400] =	vst v63  }
.Ltmp0:
0x7e: {  	s29 =	sadd.s32 @!p0 $0xE400, s10;
	s30 =	sadd.s32 @!p0 $0x1280, s17;
	(pc) =	sbr.rel @p1 .LBB2_2-.Ltmp0, $4  }
0x7f: {  	s19 =	sadd.s32 @!p0 $0xF400, s10;
	s20 =	sadd.s32 @!p0 $0x1300, s17;
	s10 =	smov.u32 s16  }
0x80: {  	[tilespmem:s28], [sflag:s9] =	stream.indirect.gather @!p0 [hbm4b:s3+s12], $0x20, s26, s12, $0xb8;
	[tilespmem:$0x1D400] =	vst v63  }
0x81: {  	s17 =	smov.u32 s14;
	s14 =	sadd.s32 $0x1, s14;
	s18 =	smov.u32 s15  }
0x82: {  	[tilespmem:s29], [sflag:s9] =	stream.indirect.gather @!p0 [hbm4b:s3+s12], $0x20, s30, s12, $0xb8;
	[tilespmem:$0x1D400] =	vst v63  }
0x83: {  	[tilespmem:s19], [sflag:s9] =	stream.indirect.gather @!p0 [hbm4b:s3+s12], $0x20, s20, s12, $0xb8;
	[tilespmem:$0x1D400] =	vst v63  }
0x84: {  	s9 =	sadd.s32 $0x1, s11  }
0x85: {  	_ =	swait.ge [sflag:s9], $0xD000  }
0x86: {  	s13 =	sadd.s32 $0x3400, s10;
	s29 =	rddreg [dreg:$0x3];
	[sflag:s9] =	ssyncset.done $0x0  }
0x87: {  	s30 =	sadd.s32 $0x3, s11;
	[sflag:s9] =	ssyncadd.s32 $0xFFFF3000;
	s12 =	sadd.s32 s18, s29  }
0x88: {  	[hbm4b:s12+s2] =	stream.linear.scatter [tilespmem:s13], [sflag:s30], $0xD000, $0x38;
	[tilespmem:$0x1D400] =	vst v63  }
0x89: {  	p0 =	sgt.u32 s17, $0x5;
	_ =	swait.ge [sflag:s30], $0xD000  }
0x8a: {  	s12 =	sshra.s32 @!p0 s18, $0x2;
	[sflag:s30] =	ssyncset.done $0x0  }
0x8b: {  	s14 =	simm.s32 @!p0 $0x80;
	s11 =	sadd.s32 @!p0 $0xD00, s12;
	[sflag:s30] =	ssyncadd.s32 $0xFFFF3000  }
0x8c: {  	[tilespmem:s13], [sflag:s9] =	stream.indirect.gather @!p0 [hbm4b:s3+s14], $0x20, s11, s14, $0xb8;
	[tilespmem:$0x1D400] =	vst v63  }
0x8d: {  	s11 =	sadd.s32 @!p0 $0x4400, s10;
	s13 =	sadd.s32 @!p0 $0xD80, s12  }
0x8e: {  	[tilespmem:s11], [sflag:s9] =	stream.indirect.gather @!p0 [hbm4b:s3+s14], $0x20, s13, s14, $0xb8;
	[tilespmem:$0x1D400] =	vst v63  }
0x8f: {  	s11 =	sadd.s32 @!p0 $0x5400, s10;
	s13 =	sadd.s32 @!p0 $0xE00, s12  }
0x90: {  	[tilespmem:s11], [sflag:s9] =	stream.indirect.gather @!p0 [hbm4b:s3+s14], $0x20, s13, s14, $0xb8;
	[tilespmem:$0x1D400] =	vst v63  }
0x91: {  	s11 =	sadd.s32 @!p0 $0x6400, s10;
	s13 =	sadd.s32 @!p0 $0xE80, s12  }
0x92: {  	[tilespmem:s11], [sflag:s9] =	stream.indirect.gather @!p0 [hbm4b:s3+s14], $0x20, s13, s14, $0xb8;
	[tilespmem:$0x1D400] =	vst v63  }
0x93: {  	s11 =	sadd.s32 @!p0 $0x7400, s10;
	s13 =	sadd.s32 @!p0 $0xF00, s12  }
0x94: {  	[tilespmem:s11], [sflag:s9] =	stream.indirect.gather @!p0 [hbm4b:s3+s14], $0x20, s13, s14, $0xb8;
	[tilespmem:$0x1D400] =	vst v63  }
0x95: {  	s11 =	sadd.s32 @!p0 $0x8400, s10;
	s13 =	sadd.s32 @!p0 $0xF80, s12  }
0x96: {  	[tilespmem:s11], [sflag:s9] =	stream.indirect.gather @!p0 [hbm4b:s3+s14], $0x20, s13, s14, $0xb8;
	[tilespmem:$0x1D400] =	vst v63  }
0x97: {  	s11 =	sadd.s32 @!p0 $0x9400, s10;
	s13 =	sadd.s32 @!p0 $0x1000, s12  }
0x98: {  	[tilespmem:s11], [sflag:s9] =	stream.indirect.gather @!p0 [hbm4b:s3+s14], $0x20, s13, s14, $0xb8;
	[tilespmem:$0x1D400] =	vst v63  }
0x99: {  	s11 =	sadd.s32 @!p0 $0xA400, s10;
	s13 =	sadd.s32 @!p0 $0x1080, s12  }
0x9a: {  	[tilespmem:s11], [sflag:s9] =	stream.indirect.gather @!p0 [hbm4b:s3+s14], $0x20, s13, s14, $0xb8;
	[tilespmem:$0x1D400] =	vst v63  }
0x9b: {  	s11 =	sadd.s32 @!p0 $0xB400, s10;
	s13 =	sadd.s32 @!p0 $0x1100, s12  }
0x9c: {  	[tilespmem:s11], [sflag:s9] =	stream.indirect.gather @!p0 [hbm4b:s3+s14], $0x20, s13, s14, $0xb8;
	[tilespmem:$0x1D400] =	vst v63  }
0x9d: {  	s11 =	sadd.s32 @!p0 $0xC400, s10;
	s13 =	sadd.s32 @!p0 $0x1180, s12  }
0x9e: {  	[tilespmem:s11], [sflag:s9] =	stream.indirect.gather @!p0 [hbm4b:s3+s14], $0x20, s13, s14, $0xb8;
	[tilespmem:$0x1D400] =	vst v63  }
0x9f: {  	s11 =	sadd.s32 @!p0 $0x1200, s12;
	s13 =	sadd.s32 @!p0 $0xD400, s10  }
0xa0: {  	[tilespmem:s13], [sflag:s9] =	stream.indirect.gather @!p0 [hbm4b:s3+s14], $0x20, s11, s14, $0xb8;
	[tilespmem:$0x1D400] =	vst v63  }
0xa1: {  	s11 =	sadd.s32 @!p0 $0xE400, s10;
	s13 =	sadd.s32 @!p0 $0x1280, s12  }
0xa2: {  	[tilespmem:s11], [sflag:s9] =	stream.indirect.gather @!p0 [hbm4b:s3+s14], $0x20, s13, s14, $0xb8;
	[tilespmem:$0x1D400] =	vst v63  }
0xa3: {  	s8 =	sadd.s32 $0x1, s8;
	s10 =	sadd.s32 @!p0 $0xF400, s10;
	s11 =	sadd.s32 @!p0 $0x1300, s12  }
0xa4: {  	[tilespmem:s10], [sflag:s9] =	stream.indirect.gather @!p0 [hbm4b:s3+s14], $0x20, s11, s14, $0xb8;
	[tilespmem:$0x1D400] =	vst v63  }
0xa5: {  	p0 =	sne.s32 s8, s5  }
.Ltmp1:
0xa6: {  	_ = 	snop;
	(pc) =	sbr.rel @p0 .LBB2_1-.Ltmp1, $1  }
0xa7: {  	_ =	sdelay $0x3  }
0xa8: {  	_ =	sfence.sel $0x180000  }
0xa9: {  	[bflag:$0x0] =	sbarrier.arrive $0xFFFF  }
0xaa: {  	_ =	strace $0x90000047  }
0xab: {  	s0 =	stileid.u32;
	[bflag:$0x2] =	sbarrier.arrive $0xFFFF  }
0xac: {  	p0 =	sne.s32 s0, $0x0;
	s0 =	rddreg [dreg:$0x2]  }
0xad: {  	s0 =	sadd.s32 @!p0 $0x100000, s0  }
0xae: {  	[sflag:s0] =	ssyncadd.tile.s32 @!p0 $0x1;
	_ =	shalt  }
.Lfunc_end2:
_tile_overlayer_lowered:
.L_overlay_start_2:
0xaf: {  	(tag) =	ssettag $0x2  }
0xb0: {  	s0 =	rddreg [dreg:$0x0];
	s2 =	stileid.u32  }
0xb1: {  	s1 =	rddreg [dreg:$0x1];
	p0 =	sne.s32 s2, $0x0  }
0xb2: {  	s3 =	rddreg [dreg:$0x2];
	[bflag:$0x3] =	sbarrier.arrive $0xFFFF;
	s2 =	simm.s32 @!p0 $0x1C05  }
0xb3: {  	[timem:s3], [sflag:s2] =	dma.local @!p0 [hbm:s0], s1  }
0xb4: {  	s0 =	simm.s32 @!p0 $0x5  }
0xb5: {  	_ =	swait.ge @!p0 [sflag:s0], s1  }
0xb6: {  	s1 =	ssub.s32 @!p0 $0x0, s1;
	[sflag:s0] =	ssyncset.done @!p0 $0x0  }
0xb7: {  	[sflag:s0] =	ssyncadd.s32 @!p0 s1  }
0xb8: {  	[bflag:$0x3] =	sbarrier.arrive $0xFFFF  }
0xb9: {  	_ =	shalt  }

// kernel: sparse-core-data-format-call.cloned.1.call-start
scs
called_computation_lowered:
.L_overlay_start_0:
0x0: {  	s2 =	sld [smem:$0x3FD9]  }
0x1: {  	s3 =	sld [smem:$0x3FFE];
	_ =	sdelay $0x1  }
0x2: {  	s1 =	srdreg.scid  }
0x3: {  	s0 =	sand.u32 $0x1, s1  }
0x4: {  	s18 =	sshll.u32 s0, $0xA;
	s2 =	sadd.s32 s3, s2  }
0x5: {  	s2 =	sadd.s32 s2, s18  }
0x6: {  	[smem:$0x3FC6] =	sst s2  }
0x7: {  	_ = 	snop  }
0x8: {  	s2 =	sld [smem:$0x3FD0];
	(tm) =	ssettm $0x1  }
0x9: {  	s19 =	sld [smem:$0x3FFB];
	_ =	sdelay $0x3  }
0xa: {  	_ =	strace s19  }
0xb: {  	s3 =	sld [smem:$0x3FFC];
	_ =	sdelay $0x3  }
0xc: {  	_ =	strace s3  }
0xd: {  	s3 =	sld [smem:$0x3FFD];
	_ =	sdelay $0x3  }
0xe: {  	_ =	strace s3  }
0xf: {  	_ =	strace $0x8FFFFFFF  }
0x10: {  	s20 =	sld [smem:$0x3FDB];
	_ =	sdelay $0x1  }
0x11: {  	s4 =	simm.s32 $_scs_section_size  }
0x12: {  	s5 =	simm.s32 $_size__tile_overlayer_lowered;
	s6 =	simm.s32 $_tile_overlayer_lowered  }
0x13: {  	s23 =	simm.s32 $0x1BFF;
	s22 =	sshll.u32 s6, $0x1;
	s3 =	sadd.s32 s4, s20  }
0x14: {  	s7 =	simm.s32 $0x0;
	s21 =	sshll.u32 s5, $0x1;
	s5 =	sadd.s32 s22, s3  }
0x15: {  	[timem:s7], [sflag:s23] =	dma.local [hbm:s5], s21  }
0x16: {  	_ =	swait.ge [sflag:s23], s21  }
0x17: {  	s4 =	ssub.s32 $0x0, s21;
	[sflag:s23] =	ssyncset.done $0x0  }
0x18: {  	[sflag:s23] =	ssyncadd.s32 s4;
	_ =	sdelay $0x1  }
0x19: {  	s24 =	simm.s32 $0x1B8B  }
0x1a: {  	_ =	swait.ge [sflag:s24], $0x1  }
0x1b: {  	[sflag:s24] =	ssyncset.done $0x0  }
0x1c: {  	s26 =	simm.s32 $0x1B8E;
	s25 =	sld [smem:$0x3FFE];
	[sflag:s24] =	ssyncadd.s32 $0xFFFFFFFF  }
0x1d: {  	s27 =	simm.s32 $execute0_lowered;
	[smem:$0x3FD2] =	sst s26  }
0x1e: {  	s5 =	sshll.u32 s27, $0x1;
	_ =	strace $0x80000049;
	[dreg:$0x1] =	wrdreg $0xFFFFFFFF  }
0x1f: {  	s28 =	simm.s32 $_size_execute0_lowered;
	s3 =	sadd.s32 s3, s5;
	[dreg:$0x0] =	wrdreg $0x0  }
0x20: {  	s5 =	sshll.u32 s28, $0x1;
	[dreg:$0x2] =	wrdreg s3  }
0x21: {  	[dreg:$0x3] =	wrdreg s5  }
0x22: {  	[dreg:$0x4] =	wrdreg $0xC0  }
0x23: {  	_ =	task [dreg:s7], $0x5FFFF  }
0x24: {  	[dreg:$0x1] =	wrdreg $0xFFFFFFFF  }
0x25: {  	[dreg:$0x0] =	wrdreg $0x60  }
0x26: {  	[dreg:$0x2] =	wrdreg s25  }
0x27: {  	[dreg:$0x3] =	wrdreg s2  }
0x28: {  	[dreg:$0x4] =	wrdreg $0x9  }
0x29: {  	_ =	task.clear_ibuf [dreg:s7], $0x5FFFF;
	_ =	strace $0x90000049  }
0x2a: {  	s29 =	simm.s32 $0x9;
	_ =	strace $0x8000004B  }
0x2b: {  	_ =	swait.ge [sflag:s29], $0x1  }
0x2c: {  	[sflag:s29] =	ssyncadd.s32 $0xFFFFFFFF  }
0x2d: {  	_ =	strace $0x9000004B  }
0x2e: {  	_ =	sfence  }
0x2f: {  	s30 =	sld [smem:$0x0];
	_ =	sdelay $0x2  }
0x30: {  	s31 =	sshll.u32 s1, $0xD;
	s1 =	sshrl.u32 s1, $0x2  }
0x31: {  	s3 =	sand.u32 $0x4000, s31;
	s1 =	sadd.s32 s1, s30  }
0x32: {  	s0 =	sor.u32 s3, s0;
	s1 =	sshll.u32 s1, $0x11  }
0x33: {  	s0 =	sor.u32 s1, s0  }
0x34: {  	s0 =	sadd.s32 $0x8F2B, s0  }
0x35: {  	[sflag:s0] =	ssyncadd.remote.s32 $0x1  }
0x36: {  	_ =	sfence.sel $0xFFFF  }
0x37: {  	[dreg:$0x0] =	wrdreg $0xFFFFFFFF;
	(pc) =	sbr.abs _section_cstart, $3  }
0x38: {  	[dreg:$0x1] =	wrdreg $0xFFFFFFFF  }
0x39: {  	_ =	task.clear_ibuf [dreg:s7], $0x2FFFF;
	_ =	strace $0x9FFFFFFF  }
0x3a: {  	(tm) =	ssettm $0x7FFFFFFF  }
0x3b: {  	_ =	shalt  }
tec
execute0_lowered:
.L_overlay_start_1:
0x0: {  	(tag) =	ssettag $0x1  }
0x1: {  	s0 =	srdreg.scid  }
0x2: {  	s1 =	sshll.u32 s0, $0x4  }
0x3: {  	s0 =	stileid.u32;
	s1 =	sand.u32 $0x10, s1  }
0x4: {  	s1 =	sor.u32 s0, s1  }
0x5: {  	s6 =	rddreg [dreg:$0x0];
	s4 =	simm.s32 $0x1;
	s2 =	sshll.u32 s1, $0x7  }
0x6: {  	s7 =	simm.s32 $0x2;
	s12 =	simm.s32 $0x0;
	s1 =	ssub.s32 $0x4000, s2  }
0x7: {  	s8 =	simm.s32 $0x20000;
	s13 =	simm.s32 $0x0;
	s3 =	sand.u32 $0xF80, s1  }
0x8: {  	s9 =	simm.s32 $0x0;
	s5 =	sshrl.u32 s1, $0xC;
	p0 =	sne.s32 s3, $0x0  }
.Ltmp0:
0x9: {  	s1 =	rddreg [dreg:$0x2];
	s4 =	simm.s32 @!p0 $0x0;
	(pc) =	sbr.rel .LBB1_1-.Ltmp0, $4  }
0xa: {  	s11 =	simm.s32 $0x0;
	s3 =	rddreg [dreg:$0x1];
	s5 =	sadd.s32 s4, s5  }
0xb: {  	_ =	strace $0x8000004A;
	s4 =	simm.s32 $0x1;
	s5 =	smul.u32 $0x1A, s5  }
0xc: {  	s6 =	sadd.s32 $0xA00, s6;
	s10 =	smov.u32 s2;
	[sflag:s4] =	ssyncpa.u1 $0x0  }
0xd: {  	p0 =	por $0x0, $0x0;
	[sflag:s7] =	ssyncpa.u1 $0x0;
	s7 =	sor.u32 $0x1, s5  }
.LBB1_4:
0xe: {  	s16 =	sshll.u32 s13, $0x3;
	s17 =	sand.u32 $0x78, s13  }
0xf: {  	s30 =	sand.u32 $0xF800, s13;
	s12 =	sshll.u32 s12, $0x10;
	s16 =	sand.u32 $0x3C00, s16  }
0x10: {  	s31 =	sand.u32 $0x7, s13;
	s16 =	sor.u32 s17, s16;
	s17 =	sadd.s32 s3, s30  }
0x11: {  	s13 =	sshll.u32 s31, $0x12;
	s16 =	sshrl.u32 s16, $0x3;
	s12 =	sadd.s32 s12, s17  }
0x12: {  	[tilespmem:s15+$0x0 ss:$0x81] =	vst.msk $0xffff, v0;
	s13 =	sor.u32 $0x400, s13;
	s12 =	sadd.s32 s16, s12  }
0x13: {  	[hbm4b:s12+s13] =	stream.strided.scatter [tilespmem:s14], [sflag:$0x2], $0x1000, s8, s13, $0x20;
	[tilespmem:$0x4040] =	vst v63  }
.LBB1_5:
0x14: {  	s14 =	sadd.s32 $0x1, s9  }
0x15: {  	s12 =	sadd.s32 $0x1000, s10;
	s16 =	smov.u32 s10;
	p2 =	sgt.s32 s14, $0x19  }
0x16: {  	s16 =	smov.u32 @p2 s12  }
0x17: {  	s14 =	simm.s32 @p2 $0x0;
	p2 =	sgt.s32 s16, $0x3FFF  }
0x18: {  	s16 =	smov.u32 @p2 s2;
	p2 =	sne.s32 s11, s7  }
.Ltmp1:
0x19: {  	p1 =	slt.u32 s11, $0x2;
	(pc) =	sbr.rel @!p2 .LBB1_6-.Ltmp1, $4  }
0x1a: {  	s15 =	simm.s32 @!p1 $0x2  }
0x1b: {  	s13 =	smov.u32 s10;
	p0 =	por !p0, !p0;
	_ =	swait.ge @!p1 [sflag:s15], $0x1000  }
0x1c: {  	s12 =	smov.u32 s9;
	[sflag:s15] =	ssyncset.done @!p1 $0x0;
	s9 =	smov.u32 s14  }
0x1d: {  	s11 =	sadd.s32 $0x1, s11;
	[sflag:s15] =	ssyncadd.s32 @!p1 $0xFFFFF000;
	s10 =	smov.u32 s16  }
.LBB1_1:
0x1e: {  	p1 =	sge.u32 s11, s5  }
0x1f: {  	s31 =	sadd.s32 $0xFFFFFFFF, s11;
	s14 =	sxor.u32 @!p1 $0xFFFFFFFF, s11  }
0x20: {  	s15 =	sshll.u32 @!p1 s10, $0x9;
	s16 =	sshll.u32 @!p1 s9, $0x4;
	s17 =	simm.s32 @!p1 $0x1000  }
0x21: {  	s14 =	sshll.u32 @!p1 s14, $0xC;
	s16 =	sand.u32 @!p1 $0x1F0, s16;
	s15 =	sadd.s32 @!p1 s6, s15  }
0x22: {  	s14 =	sand.u32 @!p1 $0x1000, s14;
	s15 =	sadd.s32 @!p1 s16, s15;
	s16 =	simm.s32 @!p1 $0x20  }
0x23: {  	[tilespmem:s14], [sflag:$0x1] =	stream.strided.gather @!p1 [hbm4b:s15+s16], $0x1000, s17, s16, $0x38;
	[tilespmem:$0x4040] =	vst v63  }
0x24: {  	p1 =	sge.u32 s31, s5  }
.Ltmp2:
0x25: {  	_ = 	snop;
	(pc) =	sbr.rel @p1 .LBB1_5-.Ltmp2, $1  }
0x26: {  	_ =	sdelay $0x3  }
0x27: {  	s14 =	simm.s32 $0x1  }
0x28: {  	_ =	swait.ge [sflag:s4], $0x1000;
	s14 =	simm.s32 @!p0 $0x0  }
0x29: {  	[sflag:s4] =	ssyncset.done $0x0;
	s15 =	sshll.u32 s14, $0xC  }
0x2a: {  	[sflag:s4] =	ssyncadd.s32 $0xFFFFF000;
	s18 =	sor.u32 $0x10, s15  }
0x2b: {  	s14 =	smul.u32 $0x4080, s14;
	v1 =	vld [tilespmem:s18+$0x0]  }
0x2c: {  	s30 =	sand.u32 $0x1, s11;
	v0 =	vld [tilespmem:s18+$0xFFFFFFF0]  }
0x2d: {  	s15 =	smul.u32 $0x4080, s30;
	s14 =	sshrl.u32 s14, $0x2  }
0x2e: {  	s16 =	sor.u32 $0x2000, s14  }
0x2f: {  	s31 =	sshrl.u32 s15, $0x2;
	s15 =	sadd.s32 $0x0, s16  }
0x30: {  	s17 =	simm.s32 $0x4;
	s18 =	sadd.s32 $0x20, s18;
	s14 =	sor.u32 $0x2000, s31;
	[tilespmem:s15+$0x810 ss:$0x81] =	vst.msk $0xffff, v1  }
.LBB1_3:
0x31: {  	v1 =	vld [tilespmem:s18+$0x0];
	p1 =	sne.s32 s17, $0x1FC;
	[tilespmem:s15+$0x0 ss:$0x81] =	vst.msk $0xffff, v0;
	s15 =	smov.u32 s17;
	s17 =	sadd.s32 $0x4, s17  }
.Ltmp3:
0x32: {  	v0 =	vld [tilespmem:s18+$0xFFFFFFF0];
	(pc) =	sbr.rel @p1 .LBB1_3-.Ltmp3, $4  }
0x33: {  	_ = 	snop  }
0x34: {  	s15 =	sshra.s32 s15, $0x2  }
0x35: {  	s15 =	sadd.s32 s15, s16  }
0x36: {  	s18 =	sadd.s32 $0x20, s18;
	[tilespmem:s15+$0x810 ss:$0x81] =	vst.msk $0xffff, v1  }
.Ltmp4:
0x37: {  	_ = 	snop;
	(pc) =	sbr.rel .LBB1_4-.Ltmp4, $1  }
0x38: {  	_ =	sdelay $0x3  }
.LBB1_6:
0x39: {  	_ =	sfence.sel $0x180000  }
0x3a: {  	s2 =	simm.s32 $0x1;
	[bflag:$0x0] =	sbarrier.arrive $0xFFFF  }
0x3b: {  	s31 =	simm.s32 $0x2;
	[sflag:s2] =	ssyncpa.u1 $0x1  }
0x3c: {  	[sflag:s31] =	ssyncpa.u1 $0x1  }
0x3d: {  	p0 =	sne.s32 s0, $0x0;
	_ =	strace $0x9000004A  }
0x3e: {  	s0 =	sadd.s32 @!p0 $0x100000, s1;
	[bflag:$0x2] =	sbarrier.arrive $0xFFFF  }
0x3f: {  	[sflag:s0] =	ssyncadd.tile.s32 @!p0 $0x1;
	_ =	shalt  }
.Lfunc_end1:
_tile_overlayer_lowered:
.L_overlay_start_2:
0x40: {  	(tag) =	ssettag $0x2  }
0x41: {  	s0 =	rddreg [dreg:$0x0];
	s2 =	stileid.u32  }
0x42: {  	s1 =	rddreg [dreg:$0x1];
	p0 =	sne.s32 s2, $0x0  }
0x43: {  	s3 =	rddreg [dreg:$0x2];
	[bflag:$0x3] =	sbarrier.arrive $0xFFFF;
	s2 =	simm.s32 @!p0 $0x1C01  }
0x44: {  	[timem:s3], [sflag:s2] =	dma.local @!p0 [hbm:s0], s1  }
0x45: {  	s0 =	simm.s32 @!p0 $0x1  }
0x46: {  	_ =	swait.ge @!p0 [sflag:s0], s1  }
0x47: {  	s1 =	ssub.s32 @!p0 $0x0, s1;
	[sflag:s0] =	ssyncset.done @!p0 $0x0  }
0x48: {  	[sflag:s0] =	ssyncadd.s32 @!p0 s1  }
0x49: {  	[bflag:$0x3] =	sbarrier.arrive $0xFFFF  }
0x4a: {  	_ =	shalt  }

</sc_bundles>
